<compile_context>
chip_gen: v7x
topology: tpu7x:2x2x1
jax: 0.10.2.dev20260603
libtpu: 0.0.44.dev20260713+nightly
codegen_flags: <defaults>
</compile_context>

<pallas_src>
import functools

import jax
import jax.numpy as jnp
from jax import lax
from jax.experimental import pallas as pl
from jax.experimental.pallas import tpu as pltpu
from jax.experimental.pallas import tpu_sc as plsc

_N_ROWS = 10000
_N_COLS = 128
_LANES = 16
_N_GROUPS = _N_COLS // _LANES

_NUM_CORES = 2
_NUM_SUBCORES = 16
_N_WORKERS = _NUM_CORES * _NUM_SUBCORES

_ROWS_PER_WORKER = _N_ROWS // _N_WORKERS
_REMAINDER_BASE = _ROWS_PER_WORKER * _N_WORKERS
_N_REMAINDER = _N_ROWS - _REMAINDER_BASE

_CHUNK_ROWS = 104
_N_CHUNKS = _ROWS_PER_WORKER // _CHUNK_ROWS


def _sc_body(x_hbm, part_hbm, buf, rem_buf, out_vec, shared, sems, rem_sem):
    cid = lax.axis_index("c")
    sid = lax.axis_index("s")
    wid = sid * _NUM_CORES + cid
    base = wid * _ROWS_PER_WORKER

    def start(c, slot):
        pltpu.make_async_copy(
            x_hbm.at[pl.ds(base + c * _CHUNK_ROWS, _CHUNK_ROWS), :],
            buf.at[slot],
            sems.at[slot],
        ).start()

    def wait(c, slot):
        pltpu.make_async_copy(
            x_hbm.at[pl.ds(base + c * _CHUNK_ROWS, _CHUNK_ROWS), :],
            buf.at[slot],
            sems.at[slot],
        ).wait()

    start(0, 0)
    is_rem_worker = wid == 0

    @pl.when(is_rem_worker)
    def _():
        pltpu.make_async_copy(
            x_hbm.at[pl.ds(_REMAINDER_BASE, _N_REMAINDER), :],
            rem_buf,
            rem_sem,
        ).start()

    accs = [jnp.zeros((_LANES,), jnp.float32) for _ in range(_N_GROUPS)]
    for c in range(_N_CHUNKS):
        slot = c % 2
        if c + 1 < _N_CHUNKS:
            start(c + 1, (c + 1) % 2)
        wait(c, slot)

        def row_step(r, acc):
            return tuple(
                acc[g] + buf[slot, r, pl.ds(g * _LANES, _LANES)]
                for g in range(_N_GROUPS)
            )

        accs = list(lax.fori_loop(0, _CHUNK_ROWS, row_step, tuple(accs)))

    for g in range(_N_GROUPS):
        out_vec[pl.ds(g * _LANES, _LANES)] = accs[g]

    @pl.when(is_rem_worker)
    def _():
        pltpu.make_async_copy(
            x_hbm.at[pl.ds(_REMAINDER_BASE, _N_REMAINDER), :],
            rem_buf,
            rem_sem,
        ).wait()

        def rem_step(r, _):
            for g in range(_N_GROUPS):
                sl = pl.ds(g * _LANES, _LANES)
                out_vec[sl] = out_vec[sl] + rem_buf[r, sl]
            return 0

        lax.fori_loop(0, _N_REMAINDER, rem_step, 0)
    pltpu.sync_copy(out_vec, shared.at[sid])
    plsc.subcore_barrier()

    @pl.when(sid == 0)
    def _():
        pltpu.sync_copy(shared, buf.at[0, pl.ds(0, _NUM_SUBCORES), :])

        def comb_step(r, acc):
            return tuple(
                acc[g] + buf[0, r, pl.ds(g * _LANES, _LANES)]
                for g in range(_N_GROUPS)
            )

        tot = lax.fori_loop(
            0,
            _NUM_SUBCORES,
            comb_step,
            tuple(jnp.zeros((_LANES,), jnp.float32) for _ in range(_N_GROUPS)),
        )
        for g in range(_N_GROUPS):
            out_vec[pl.ds(g * _LANES, _LANES)] = tot[g]
        pltpu.sync_copy(out_vec, part_hbm.at[cid])


_sc_partials = pl.kernel(
    _sc_body,
    out_type=jax.ShapeDtypeStruct((_NUM_CORES, _N_COLS), jnp.float32),
    mesh=plsc.VectorSubcoreMesh(
        core_axis_name="c",
        subcore_axis_name="s",
        num_cores=_NUM_CORES,
        num_subcores=_NUM_SUBCORES,
    ),
    scratch_types=[
        pltpu.VMEM((2, _CHUNK_ROWS, _N_COLS), jnp.float32),
        pltpu.VMEM((_N_REMAINDER, _N_COLS), jnp.float32),
        pltpu.VMEM((_N_COLS,), jnp.float32),
        pltpu.VMEM_SHARED((_NUM_SUBCORES, _N_COLS), jnp.float32),
        pltpu.SemaphoreType.DMA((2,)),
        pltpu.SemaphoreType.DMA,
    ],
)


def _tc_body(p_ref, u_ref, t_ref):
    s = jnp.sum(p_ref[...], axis=0, keepdims=True)
    u = s * (1.0 / _N_ROWS)
    u_ref[...] = u
    m = jnp.max(u, axis=1, keepdims=True)
    e = jnp.exp(u - m)
    t_ref[...] = e / jnp.sum(e, axis=1, keepdims=True)


def _tc_finish(partials):
    return pl.pallas_call(
        _tc_body,
        grid=(1,),
        in_specs=[pl.BlockSpec((_NUM_CORES, _N_COLS), lambda i: (0, 0))],
        out_specs=[
            pl.BlockSpec((1, _N_COLS), lambda i: (0, 0)),
            pl.BlockSpec((1, _N_COLS), lambda i: (0, 0)),
        ],
        out_shape=[
            jax.ShapeDtypeStruct((1, _N_COLS), jnp.float32),
            jax.ShapeDtypeStruct((1, _N_COLS), jnp.float32),
        ],
    )(partials)


@jax.jit
def _run(x):
    partials = _sc_partials(x)
    u, u_top = _tc_finish(partials)
    return x, u, u_top


def kernel(x, edge_index):
    del edge_index
    return _run(x)

# --- scband reference (transcript-rebuilt; emitter-appended) ---
"""Pipeline reference for scband-model-82609400971475 (READ-ONLY COPY).

The authoritative reference and input builder live on the scoring server;
editing this copy changes nothing except your own understanding.
"""

import jax, jax.numpy as jnp
import numpy as np


def setup_inputs(seed: int = 0) -> dict:
    key = jax.random.key(seed)
    k1, k2 = jax.random.split(key)
    x = jax.random.normal(k1, (10000, 128), dtype=jnp.float32)
    edge_index = jax.random.randint(k2, (2, 320000), 0, 10000, dtype=jnp.int64)
    return {"x": x, "edge_index": edge_index}


def reference(x, edge_index):
    # Config: pre_mlp.num_layers=0 -> Identity; mp.num_layers=0 -> MpIdentity (returns x);
    # post_mlp.num_layers=0 -> Identity. Encoder is therefore identity on x.
    h = x
    # Pool(name='mean') with batch=None: global mean pooling over all nodes -> [1, d]
    u = jnp.mean(h, axis=0, keepdims=True)
    # global_mlp.num_layers=0 -> Identity; then softmax over dim=1
    u_top = jax.nn.softmax(u, axis=1)
    return (h, u, u_top)

if __name__ == "__main__":
    import jax
    _d = setup_inputs()
    print(jax.jit(kernel)(*tuple(_d.values())))

</pallas_src>

<mosaic_0001>
#map = affine_map<(d0, d1) -> (0, 0)>
module attributes {stable_mosaic.version = 14 : i64} {
  func.func @_sc_body(%arg0: i32, %arg1: i32, %arg2: memref<10000x128xf32, #tpu.memory_space<hbm>>, %arg3: memref<2x128xf32, #tpu.memory_space<hbm>>, %arg4: memref<2x104x128xf32, #tpu.memory_space<vmem>>, %arg5: memref<16x128xf32, #tpu.memory_space<vmem>>, %arg6: memref<128xf32, #tpu.memory_space<vmem>>, %arg7: memref<16x128xf32, #tpu.memory_space<vmem_shared>>, %arg8: memref<2x!tpu.dma_semaphore, #tpu.memory_space<semaphore_mem>>, %arg9: memref<!tpu.dma_semaphore, #tpu.memory_space<semaphore_mem>>) attributes {dimension_semantics = [#tpu.dimension_semantics<core_parallel>, #tpu.dimension_semantics<subcore_parallel>], iteration_bounds = array<i64: 2, 16>, scalar_prefetch = 0 : i64, scratch_operands = 6 : i64, tpu.core_type = #tpu.core_type<sc_vector_subcore>, window_params = [{transform_indices = #map}, {transform_indices = #map}]} {
    %mul3A = arith.constant 2 : i32
    %mul3A_0 = arith.muli %arg1, %mul3A : i32
    %add3A = arith.addi %mul3A_0, %arg0 : i32
    %mul3A_1 = arith.constant 312 : i32
    %mul3A_2 = arith.muli %add3A, %mul3A_1 : i32
    %add3A_3 = arith.constant 0 : i32
    %add3A_4 = arith.addi %mul3A_2, %add3A_3 : i32
    %dma_start3A = arith.constant 0 : i32
    %dma_start3A_5 = arith.constant 0 : i32
    %dma_start3A_6 = arith.constant 0 : i32
    %dma_start3A_7 = arith.constant 0 : i32
    %dma_start3A_8 = tpu.memref_slice %arg4[%dma_start3A, %dma_start3A_6, %dma_start3A_7] : memref<2x104x128xf32, #tpu.memory_space<vmem>> -> memref<1x104x128xf32, #tpu.memory_space<vmem>>
    %dma_start3A_9 = tpu.memref_squeeze %dma_start3A_8 : memref<1x104x128xf32, #tpu.memory_space<vmem>> -> memref<104x128xf32, #tpu.memory_space<vmem>>
    %dma_start3A_10 = arith.constant 0 : i32
    %dma_start3A_11 = tpu.memref_slice %arg2[%add3A_4, %dma_start3A_10] : memref<10000x128xf32, #tpu.memory_space<hbm>> -> memref<104x128xf32, #tpu.memory_space<hbm>>
    %dma_start3A_12 = tpu.memref_slice %arg8[%dma_start3A_5] : memref<2x!tpu.dma_semaphore, #tpu.memory_space<semaphore_mem>> -> memref<1x!tpu.dma_semaphore, #tpu.memory_space<semaphore_mem>>
    %dma_start3A_13 = tpu.memref_squeeze %dma_start3A_12 : memref<1x!tpu.dma_semaphore, #tpu.memory_space<semaphore_mem>> -> memref<!tpu.dma_semaphore, #tpu.memory_space<semaphore_mem>>
    %dma_start3A_14 = arith.constant 0 : i32
    %dma_start3A_15 = arith.constant 0 : i32
    %dma_start3A_16 = tpu.memref_slice %arg4[%dma_start3A, %dma_start3A_14, %dma_start3A_15] : memref<2x104x128xf32, #tpu.memory_space<vmem>> -> memref<1x104x128xf32, #tpu.memory_space<vmem>>
    %dma_start3A_17 = tpu.memref_squeeze %dma_start3A_16 : memref<1x104x128xf32, #tpu.memory_space<vmem>> -> memref<104x128xf32, #tpu.memory_space<vmem>>
    %dma_start3A_18 = arith.constant 0 : i32
    %dma_start3A_19 = tpu.memref_slice %arg2[%add3A_4, %dma_start3A_18] : memref<10000x128xf32, #tpu.memory_space<hbm>> -> memref<104x128xf32, #tpu.memory_space<hbm>>
    tpu.enqueue_dma source(%dma_start3A_19 : memref<104x128xf32, #tpu.memory_space<hbm>>) target(%dma_start3A_17 : memref<104x128xf32, #tpu.memory_space<vmem>>) target_semaphore(%dma_start3A_13 : memref<!tpu.dma_semaphore, #tpu.memory_space<semaphore_mem>>)
    %eq3A = arith.constant 0 : i32
    %eq3A_20 = arith.cmpi eq, %add3A, %eq3A : i32
    %convert_element_type3A = arith.extui %eq3A_20 : i1 to i32
    %cond3A = arith.constant 0 : i32
    %cond3A_21 = arith.cmpi ne, %convert_element_type3A, %cond3A : i32
    scf.if %cond3A_21 {
      %dma_start3A_182 = arith.constant 9984 : i32
      %dma_start3A_183 = arith.constant 0 : i32
      %dma_start3A_184 = tpu.memref_slice %arg2[%dma_start3A_182, %dma_start3A_183] : memref<10000x128xf32, #tpu.memory_space<hbm>> -> memref<16x128xf32, #tpu.memory_space<hbm>>
      %dma_start3A_185 = arith.constant 9984 : i32
      %dma_start3A_186 = arith.constant 0 : i32
      %dma_start3A_187 = tpu.memref_slice %arg2[%dma_start3A_185, %dma_start3A_186] : memref<10000x128xf32, #tpu.memory_space<hbm>> -> memref<16x128xf32, #tpu.memory_space<hbm>>
      tpu.enqueue_dma source(%dma_start3A_187 : memref<16x128xf32, #tpu.memory_space<hbm>>) target(%arg5 : memref<16x128xf32, #tpu.memory_space<vmem>>) target_semaphore(%arg9 : memref<!tpu.dma_semaphore, #tpu.memory_space<semaphore_mem>>)
    } else {
    }
    %broadcast_in_dim3A = arith.constant 0.000000e+00 : f32
    %broadcast_in_dim3A_22 = vector.broadcast %broadcast_in_dim3A : f32 to vector<16xf32>
    %broadcast_in_dim3A_23 = arith.constant 0.000000e+00 : f32
    %broadcast_in_dim3A_24 = vector.broadcast %broadcast_in_dim3A_23 : f32 to vector<16xf32>
    %broadcast_in_dim3A_25 = arith.constant 0.000000e+00 : f32
    %broadcast_in_dim3A_26 = vector.broadcast %broadcast_in_dim3A_25 : f32 to vector<16xf32>
    %broadcast_in_dim3A_27 = arith.constant 0.000000e+00 : f32
    %broadcast_in_dim3A_28 = vector.broadcast %broadcast_in_dim3A_27 : f32 to vector<16xf32>
    %broadcast_in_dim3A_29 = arith.constant 0.000000e+00 : f32
    %broadcast_in_dim3A_30 = vector.broadcast %broadcast_in_dim3A_29 : f32 to vector<16xf32>
    %broadcast_in_dim3A_31 = arith.constant 0.000000e+00 : f32
    %broadcast_in_dim3A_32 = vector.broadcast %broadcast_in_dim3A_31 : f32 to vector<16xf32>
    %broadcast_in_dim3A_33 = arith.constant 0.000000e+00 : f32
    %broadcast_in_dim3A_34 = vector.broadcast %broadcast_in_dim3A_33 : f32 to vector<16xf32>
    %broadcast_in_dim3A_35 = arith.constant 0.000000e+00 : f32
    %broadcast_in_dim3A_36 = vector.broadcast %broadcast_in_dim3A_35 : f32 to vector<16xf32>
    %add3A_37 = arith.constant 104 : i32
    %add3A_38 = arith.addi %mul3A_2, %add3A_37 : i32
    %dma_start3A_39 = arith.constant 1 : i32
    %dma_start3A_40 = arith.constant 1 : i32
    %dma_start3A_41 = arith.constant 0 : i32
    %dma_start3A_42 = arith.constant 0 : i32
    %dma_start3A_43 = tpu.memref_slice %arg4[%dma_start3A_39, %dma_start3A_41, %dma_start3A_42] : memref<2x104x128xf32, #tpu.memory_space<vmem>> -> memref<1x104x128xf32, #tpu.memory_space<vmem>>
    %dma_start3A_44 = tpu.memref_squeeze %dma_start3A_43 : memref<1x104x128xf32, #tpu.memory_space<vmem>> -> memref<104x128xf32, #tpu.memory_space<vmem>>
    %dma_start3A_45 = arith.constant 0 : i32
    %dma_start3A_46 = tpu.memref_slice %arg2[%add3A_38, %dma_start3A_45] : memref<10000x128xf32, #tpu.memory_space<hbm>> -> memref<104x128xf32, #tpu.memory_space<hbm>>
    %dma_start3A_47 = tpu.memref_slice %arg8[%dma_start3A_40] : memref<2x!tpu.dma_semaphore, #tpu.memory_space<semaphore_mem>> -> memref<1x!tpu.dma_semaphore, #tpu.memory_space<semaphore_mem>>
    %dma_start3A_48 = tpu.memref_squeeze %dma_start3A_47 : memref<1x!tpu.dma_semaphore, #tpu.memory_space<semaphore_mem>> -> memref<!tpu.dma_semaphore, #tpu.memory_space<semaphore_mem>>
    %dma_start3A_49 = arith.constant 0 : i32
    %dma_start3A_50 = arith.constant 0 : i32
    %dma_start3A_51 = tpu.memref_slice %arg4[%dma_start3A_39, %dma_start3A_49, %dma_start3A_50] : memref<2x104x128xf32, #tpu.memory_space<vmem>> -> memref<1x104x128xf32, #tpu.memory_space<vmem>>
    %dma_start3A_52 = tpu.memref_squeeze %dma_start3A_51 : memref<1x104x128xf32, #tpu.memory_space<vmem>> -> memref<104x128xf32, #tpu.memory_space<vmem>>
    %dma_start3A_53 = arith.constant 0 : i32
    %dma_start3A_54 = tpu.memref_slice %arg2[%add3A_38, %dma_start3A_53] : memref<10000x128xf32, #tpu.memory_space<hbm>> -> memref<104x128xf32, #tpu.memory_space<hbm>>
    tpu.enqueue_dma source(%dma_start3A_54 : memref<104x128xf32, #tpu.memory_space<hbm>>) target(%dma_start3A_52 : memref<104x128xf32, #tpu.memory_space<vmem>>) target_semaphore(%dma_start3A_48 : memref<!tpu.dma_semaphore, #tpu.memory_space<semaphore_mem>>)
    %add3A_55 = arith.constant 0 : i32
    %add3A_56 = arith.addi %mul3A_2, %add3A_55 : i32
    %dma_wait3A = arith.constant 0 : i32
    %dma_wait3A_57 = arith.constant 0 : i32
    %dma_wait3A_58 = arith.constant 0 : i32
    %dma_wait3A_59 = arith.constant 0 : i32
    %dma_wait3A_60 = tpu.memref_slice %arg4[%dma_wait3A, %dma_wait3A_58, %dma_wait3A_59] : memref<2x104x128xf32, #tpu.memory_space<vmem>> -> memref<1x104x128xf32, #tpu.memory_space<vmem>>
    %dma_wait3A_61 = tpu.memref_squeeze %dma_wait3A_60 : memref<1x104x128xf32, #tpu.memory_space<vmem>> -> memref<104x128xf32, #tpu.memory_space<vmem>>
    %dma_wait3A_62 = arith.constant 0 : i32
    %dma_wait3A_63 = tpu.memref_slice %arg2[%add3A_56, %dma_wait3A_62] : memref<10000x128xf32, #tpu.memory_space<hbm>> -> memref<104x128xf32, #tpu.memory_space<hbm>>
    %dma_wait3A_64 = tpu.memref_slice %arg8[%dma_wait3A_57] : memref<2x!tpu.dma_semaphore, #tpu.memory_space<semaphore_mem>> -> memref<1x!tpu.dma_semaphore, #tpu.memory_space<semaphore_mem>>
    %dma_wait3A_65 = tpu.memref_squeeze %dma_wait3A_64 : memref<1x!tpu.dma_semaphore, #tpu.memory_space<semaphore_mem>> -> memref<!tpu.dma_semaphore, #tpu.memory_space<semaphore_mem>>
    %dma_wait3A_66 = arith.constant 0 : i32
    %dma_wait3A_67 = arith.constant 0 : i32
    %dma_wait3A_68 = tpu.memref_slice %arg4[%dma_wait3A, %dma_wait3A_66, %dma_wait3A_67] : memref<2x104x128xf32, #tpu.memory_space<vmem>> -> memref<1x104x128xf32, #tpu.memory_space<vmem>>
    %dma_wait3A_69 = tpu.memref_squeeze %dma_wait3A_68 : memref<1x104x128xf32, #tpu.memory_space<vmem>> -> memref<104x128xf32, #tpu.memory_space<vmem>>
    %dma_wait3A_70 = arith.constant 0 : i32
    %dma_wait3A_71 = tpu.memref_slice %arg2[%add3A_56, %dma_wait3A_70] : memref<10000x128xf32, #tpu.memory_space<hbm>> -> memref<104x128xf32, #tpu.memory_space<hbm>>
    tpu.wait_dma2 semaphore(%dma_wait3A_65 : memref<!tpu.dma_semaphore, #tpu.memory_space<semaphore_mem>>) src(%dma_wait3A_71 : memref<104x128xf32, #tpu.memory_space<hbm>>) dst(%dma_wait3A_69 : memref<104x128xf32, #tpu.memory_space<vmem>>)
    %scan3A = arith.constant 0 : i32
    %scan3A_72 = arith.constant 104 : i32
    %scan3A_73 = arith.addi %scan3A, %scan3A_72 : i32
    %scan3A_74 = arith.constant 1 : i32
    %scan3A_75:8 = scf.for %scan3A_182 = %scan3A to %scan3A_73 step %scan3A_74 iter_args(%scan3A_183 = %broadcast_in_dim3A_22, %scan3A_184 = %broadcast_in_dim3A_24, %scan3A_185 = %broadcast_in_dim3A_26, %scan3A_186 = %broadcast_in_dim3A_28, %scan3A_187 = %broadcast_in_dim3A_30, %scan3A_188 = %broadcast_in_dim3A_32, %scan3A_189 = %broadcast_in_dim3A_34, %scan3A_190 = %broadcast_in_dim3A_36) -> (vector<16xf32>, vector<16xf32>, vector<16xf32>, vector<16xf32>, vector<16xf32>, vector<16xf32>, vector<16xf32>, vector<16xf32>)  : i32 {
      %get3A = arith.constant 0 : i32
      %get3A_191 = arith.index_cast %get3A : i32 to index
      %get3A_192 = arith.index_cast %scan3A_182 : i32 to index
      %get3A_193 = arith.constant 0 : index
      %get3A_194 = tpu.vector_load %arg4[%get3A_191, %get3A_192, %get3A_193] {strides = array<i32>} : memref<2x104x128xf32, #tpu.memory_space<vmem>>, vector<1x1x16xf32>,
      %get3A_195 = vector.shape_cast %get3A_194 : vector<1x1x16xf32> to vector<16xf32>
      %add3A_196 = arith.addf %scan3A_183, %get3A_195 : vector<16xf32>
      %get3A_197 = arith.constant 0 : i32
      %get3A_198 = arith.index_cast %get3A_197 : i32 to index
      %get3A_199 = arith.index_cast %scan3A_182 : i32 to index
      %get3A_200 = arith.constant 16 : index
      %get3A_201 = tpu.vector_load %arg4[%get3A_198, %get3A_199, %get3A_200] {strides = array<i32>} : memref<2x104x128xf32, #tpu.memory_space<vmem>>, vector<1x1x16xf32>,
      %get3A_202 = vector.shape_cast %get3A_201 : vector<1x1x16xf32> to vector<16xf32>
      %add3A_203 = arith.addf %scan3A_184, %get3A_202 : vector<16xf32>
      %get3A_204 = arith.constant 0 : i32
      %get3A_205 = arith.index_cast %get3A_204 : i32 to index
      %get3A_206 = arith.index_cast %scan3A_182 : i32 to index
      %get3A_207 = arith.constant 32 : index
      %get3A_208 = tpu.vector_load %arg4[%get3A_205, %get3A_206, %get3A_207] {strides = array<i32>} : memref<2x104x128xf32, #tpu.memory_space<vmem>>, vector<1x1x16xf32>,
      %get3A_209 = vector.shape_cast %get3A_208 : vector<1x1x16xf32> to vector<16xf32>
      %add3A_210 = arith.addf %scan3A_185, %get3A_209 : vector<16xf32>
      %get3A_211 = arith.constant 0 : i32
      %get3A_212 = arith.index_cast %get3A_211 : i32 to index
      %get3A_213 = arith.index_cast %scan3A_182 : i32 to index
      %get3A_214 = arith.constant 48 : index
      %get3A_215 = tpu.vector_load %arg4[%get3A_212, %get3A_213, %get3A_214] {strides = array<i32>} : memref<2x104x128xf32, #tpu.memory_space<vmem>>, vector<1x1x16xf32>,
      %get3A_216 = vector.shape_cast %get3A_215 : vector<1x1x16xf32> to vector<16xf32>
      %add3A_217 = arith.addf %scan3A_186, %get3A_216 : vector<16xf32>
      %get3A_218 = arith.constant 0 : i32
      %get3A_219 = arith.index_cast %get3A_218 : i32 to index
      %get3A_220 = arith.index_cast %scan3A_182 : i32 to index
      %get3A_221 = arith.constant 64 : index
      %get3A_222 = tpu.vector_load %arg4[%get3A_219, %get3A_220, %get3A_221] {strides = array<i32>} : memref<2x104x128xf32, #tpu.memory_space<vmem>>, vector<1x1x16xf32>,
      %get3A_223 = vector.shape_cast %get3A_222 : vector<1x1x16xf32> to vector<16xf32>
      %add3A_224 = arith.addf %scan3A_187, %get3A_223 : vector<16xf32>
      %get3A_225 = arith.constant 0 : i32
      %get3A_226 = arith.index_cast %get3A_225 : i32 to index
      %get3A_227 = arith.index_cast %scan3A_182 : i32 to index
      %get3A_228 = arith.constant 80 : index
      %get3A_229 = tpu.vector_load %arg4[%get3A_226, %get3A_227, %get3A_228] {strides = array<i32>} : memref<2x104x128xf32, #tpu.memory_space<vmem>>, vector<1x1x16xf32>,
      %get3A_230 = vector.shape_cast %get3A_229 : vector<1x1x16xf32> to vector<16xf32>
      %add3A_231 = arith.addf %scan3A_188, %get3A_230 : vector<16xf32>
      %get3A_232 = arith.constant 0 : i32
      %get3A_233 = arith.index_cast %get3A_232 : i32 to index
      %get3A_234 = arith.index_cast %scan3A_182 : i32 to index
      %get3A_235 = arith.constant 96 : index
      %get3A_236 = tpu.vector_load %arg4[%get3A_233, %get3A_234, %get3A_235] {strides = array<i32>} : memref<2x104x128xf32, #tpu.memory_space<vmem>>, vector<1x1x16xf32>,
      %get3A_237 = vector.shape_cast %get3A_236 : vector<1x1x16xf32> to vector<16xf32>
      %add3A_238 = arith.addf %scan3A_189, %get3A_237 : vector<16xf32>
      %get3A_239 = arith.constant 0 : i32
      %get3A_240 = arith.index_cast %get3A_239 : i32 to index
      %get3A_241 = arith.index_cast %scan3A_182 : i32 to index
      %get3A_242 = arith.constant 112 : index
      %get3A_243 = tpu.vector_load %arg4[%get3A_240, %get3A_241, %get3A_242] {strides = array<i32>} : memref<2x104x128xf32, #tpu.memory_space<vmem>>, vector<1x1x16xf32>,
      %get3A_244 = vector.shape_cast %get3A_243 : vector<1x1x16xf32> to vector<16xf32>
      %add3A_245 = arith.addf %scan3A_190, %get3A_244 : vector<16xf32>
      scf.yield %add3A_196, %add3A_203, %add3A_210, %add3A_217, %add3A_224, %add3A_231, %add3A_238, %add3A_245 : vector<16xf32>, vector<16xf32>, vector<16xf32>, vector<16xf32>, vector<16xf32>, vector<16xf32>, vector<16xf32>, vector<16xf32>
    }
    %scan3A_76 = arith.constant 104 : i32
    %add3A_77 = arith.constant 208 : i32
    %add3A_78 = arith.addi %mul3A_2, %add3A_77 : i32
    %dma_start3A_79 = arith.constant 0 : i32
    %dma_start3A_80 = arith.constant 0 : i32
    %dma_start3A_81 = arith.constant 0 : i32
    %dma_start3A_82 = arith.constant 0 : i32
    %dma_start3A_83 = tpu.memref_slice %arg4[%dma_start3A_79, %dma_start3A_81, %dma_start3A_82] : memref<2x104x128xf32, #tpu.memory_space<vmem>> -> memref<1x104x128xf32, #tpu.memory_space<vmem>>
    %dma_start3A_84 = tpu.memref_squeeze %dma_start3A_83 : memref<1x104x128xf32, #tpu.memory_space<vmem>> -> memref<104x128xf32, #tpu.memory_space<vmem>>
    %dma_start3A_85 = arith.constant 0 : i32
    %dma_start3A_86 = tpu.memref_slice %arg2[%add3A_78, %dma_start3A_85] : memref<10000x128xf32, #tpu.memory_space<hbm>> -> memref<104x128xf32, #tpu.memory_space<hbm>>
    %dma_start3A_87 = tpu.memref_slice %arg8[%dma_start3A_80] : memref<2x!tpu.dma_semaphore, #tpu.memory_space<semaphore_mem>> -> memref<1x!tpu.dma_semaphore, #tpu.memory_space<semaphore_mem>>
    %dma_start3A_88 = tpu.memref_squeeze %dma_start3A_87 : memref<1x!tpu.dma_semaphore, #tpu.memory_space<semaphore_mem>> -> memref<!tpu.dma_semaphore, #tpu.memory_space<semaphore_mem>>
    %dma_start3A_89 = arith.constant 0 : i32
    %dma_start3A_90 = arith.constant 0 : i32
    %dma_start3A_91 = tpu.memref_slice %arg4[%dma_start3A_79, %dma_start3A_89, %dma_start3A_90] : memref<2x104x128xf32, #tpu.memory_space<vmem>> -> memref<1x104x128xf32, #tpu.memory_space<vmem>>
    %dma_start3A_92 = tpu.memref_squeeze %dma_start3A_91 : memref<1x104x128xf32, #tpu.memory_space<vmem>> -> memref<104x128xf32, #tpu.memory_space<vmem>>
    %dma_start3A_93 = arith.constant 0 : i32
    %dma_start3A_94 = tpu.memref_slice %arg2[%add3A_78, %dma_start3A_93] : memref<10000x128xf32, #tpu.memory_space<hbm>> -> memref<104x128xf32, #tpu.memory_space<hbm>>
    tpu.enqueue_dma source(%dma_start3A_94 : memref<104x128xf32, #tpu.memory_space<hbm>>) target(%dma_start3A_92 : memref<104x128xf32, #tpu.memory_space<vmem>>) target_semaphore(%dma_start3A_88 : memref<!tpu.dma_semaphore, #tpu.memory_space<semaphore_mem>>)
    %add3A_95 = arith.constant 104 : i32
    %add3A_96 = arith.addi %mul3A_2, %add3A_95 : i32
    %dma_wait3A_97 = arith.constant 1 : i32
    %dma_wait3A_98 = arith.constant 1 : i32
    %dma_wait3A_99 = arith.constant 0 : i32
    %dma_wait3A_100 = arith.constant 0 : i32
    %dma_wait3A_101 = tpu.memref_slice %arg4[%dma_wait3A_97, %dma_wait3A_99, %dma_wait3A_100] : memref<2x104x128xf32, #tpu.memory_space<vmem>> -> memref<1x104x128xf32, #tpu.memory_space<vmem>>
    %dma_wait3A_102 = tpu.memref_squeeze %dma_wait3A_101 : memref<1x104x128xf32, #tpu.memory_space<vmem>> -> memref<104x128xf32, #tpu.memory_space<vmem>>
    %dma_wait3A_103 = arith.constant 0 : i32
    %dma_wait3A_104 = tpu.memref_slice %arg2[%add3A_96, %dma_wait3A_103] : memref<10000x128xf32, #tpu.memory_space<hbm>> -> memref<104x128xf32, #tpu.memory_space<hbm>>
    %dma_wait3A_105 = tpu.memref_slice %arg8[%dma_wait3A_98] : memref<2x!tpu.dma_semaphore, #tpu.memory_space<semaphore_mem>> -> memref<1x!tpu.dma_semaphore, #tpu.memory_space<semaphore_mem>>
    %dma_wait3A_106 = tpu.memref_squeeze %dma_wait3A_105 : memref<1x!tpu.dma_semaphore, #tpu.memory_space<semaphore_mem>> -> memref<!tpu.dma_semaphore, #tpu.memory_space<semaphore_mem>>
    %dma_wait3A_107 = arith.constant 0 : i32
    %dma_wait3A_108 = arith.constant 0 : i32
    %dma_wait3A_109 = tpu.memref_slice %arg4[%dma_wait3A_97, %dma_wait3A_107, %dma_wait3A_108] : memref<2x104x128xf32, #tpu.memory_space<vmem>> -> memref<1x104x128xf32, #tpu.memory_space<vmem>>
    %dma_wait3A_110 = tpu.memref_squeeze %dma_wait3A_109 : memref<1x104x128xf32, #tpu.memory_space<vmem>> -> memref<104x128xf32, #tpu.memory_space<vmem>>
    %dma_wait3A_111 = arith.constant 0 : i32
    %dma_wait3A_112 = tpu.memref_slice %arg2[%add3A_96, %dma_wait3A_111] : memref<10000x128xf32, #tpu.memory_space<hbm>> -> memref<104x128xf32, #tpu.memory_space<hbm>>
    tpu.wait_dma2 semaphore(%dma_wait3A_106 : memref<!tpu.dma_semaphore, #tpu.memory_space<semaphore_mem>>) src(%dma_wait3A_112 : memref<104x128xf32, #tpu.memory_space<hbm>>) dst(%dma_wait3A_110 : memref<104x128xf32, #tpu.memory_space<vmem>>)
    %scan3A_113 = arith.constant 0 : i32
    %scan3A_114 = arith.constant 104 : i32
    %scan3A_115 = arith.addi %scan3A_113, %scan3A_114 : i32
    %scan3A_116 = arith.constant 1 : i32
    %scan3A_117:8 = scf.for %scan3A_182 = %scan3A_113 to %scan3A_115 step %scan3A_116 iter_args(%scan3A_183 = %scan3A_75#0, %scan3A_184 = %scan3A_75#1, %scan3A_185 = %scan3A_75#2, %scan3A_186 = %scan3A_75#3, %scan3A_187 = %scan3A_75#4, %scan3A_188 = %scan3A_75#5, %scan3A_189 = %scan3A_75#6, %scan3A_190 = %scan3A_75#7) -> (vector<16xf32>, vector<16xf32>, vector<16xf32>, vector<16xf32>, vector<16xf32>, vector<16xf32>, vector<16xf32>, vector<16xf32>)  : i32 {
      %get3A = arith.constant 1 : i32
      %get3A_191 = arith.index_cast %get3A : i32 to index
      %get3A_192 = arith.index_cast %scan3A_182 : i32 to index
      %get3A_193 = arith.constant 0 : index
      %get3A_194 = tpu.vector_load %arg4[%get3A_191, %get3A_192, %get3A_193] {strides = array<i32>} : memref<2x104x128xf32, #tpu.memory_space<vmem>>, vector<1x1x16xf32>,
      %get3A_195 = vector.shape_cast %get3A_194 : vector<1x1x16xf32> to vector<16xf32>
      %add3A_196 = arith.addf %scan3A_183, %get3A_195 : vector<16xf32>
      %get3A_197 = arith.constant 1 : i32
      %get3A_198 = arith.index_cast %get3A_197 : i32 to index
      %get3A_199 = arith.index_cast %scan3A_182 : i32 to index
      %get3A_200 = arith.constant 16 : index
      %get3A_201 = tpu.vector_load %arg4[%get3A_198, %get3A_199, %get3A_200] {strides = array<i32>} : memref<2x104x128xf32, #tpu.memory_space<vmem>>, vector<1x1x16xf32>,
      %get3A_202 = vector.shape_cast %get3A_201 : vector<1x1x16xf32> to vector<16xf32>
      %add3A_203 = arith.addf %scan3A_184, %get3A_202 : vector<16xf32>
      %get3A_204 = arith.constant 1 : i32
      %get3A_205 = arith.index_cast %get3A_204 : i32 to index
      %get3A_206 = arith.index_cast %scan3A_182 : i32 to index
      %get3A_207 = arith.constant 32 : index
      %get3A_208 = tpu.vector_load %arg4[%get3A_205, %get3A_206, %get3A_207] {strides = array<i32>} : memref<2x104x128xf32, #tpu.memory_space<vmem>>, vector<1x1x16xf32>,
      %get3A_209 = vector.shape_cast %get3A_208 : vector<1x1x16xf32> to vector<16xf32>
      %add3A_210 = arith.addf %scan3A_185, %get3A_209 : vector<16xf32>
      %get3A_211 = arith.constant 1 : i32
      %get3A_212 = arith.index_cast %get3A_211 : i32 to index
      %get3A_213 = arith.index_cast %scan3A_182 : i32 to index
      %get3A_214 = arith.constant 48 : index
      %get3A_215 = tpu.vector_load %arg4[%get3A_212, %get3A_213, %get3A_214] {strides = array<i32>} : memref<2x104x128xf32, #tpu.memory_space<vmem>>, vector<1x1x16xf32>,
      %get3A_216 = vector.shape_cast %get3A_215 : vector<1x1x16xf32> to vector<16xf32>
      %add3A_217 = arith.addf %scan3A_186, %get3A_216 : vector<16xf32>
      %get3A_218 = arith.constant 1 : i32
      %get3A_219 = arith.index_cast %get3A_218 : i32 to index
      %get3A_220 = arith.index_cast %scan3A_182 : i32 to index
      %get3A_221 = arith.constant 64 : index
      %get3A_222 = tpu.vector_load %arg4[%get3A_219, %get3A_220, %get3A_221] {strides = array<i32>} : memref<2x104x128xf32, #tpu.memory_space<vmem>>, vector<1x1x16xf32>,
      %get3A_223 = vector.shape_cast %get3A_222 : vector<1x1x16xf32> to vector<16xf32>
      %add3A_224 = arith.addf %scan3A_187, %get3A_223 : vector<16xf32>
      %get3A_225 = arith.constant 1 : i32
      %get3A_226 = arith.index_cast %get3A_225 : i32 to index
      %get3A_227 = arith.index_cast %scan3A_182 : i32 to index
      %get3A_228 = arith.constant 80 : index
      %get3A_229 = tpu.vector_load %arg4[%get3A_226, %get3A_227, %get3A_228] {strides = array<i32>} : memref<2x104x128xf32, #tpu.memory_space<vmem>>, vector<1x1x16xf32>,
      %get3A_230 = vector.shape_cast %get3A_229 : vector<1x1x16xf32> to vector<16xf32>
      %add3A_231 = arith.addf %scan3A_188, %get3A_230 : vector<16xf32>
      %get3A_232 = arith.constant 1 : i32
      %get3A_233 = arith.index_cast %get3A_232 : i32 to index
      %get3A_234 = arith.index_cast %scan3A_182 : i32 to index
      %get3A_235 = arith.constant 96 : index
      %get3A_236 = tpu.vector_load %arg4[%get3A_233, %get3A_234, %get3A_235] {strides = array<i32>} : memref<2x104x128xf32, #tpu.memory_space<vmem>>, vector<1x1x16xf32>,
      %get3A_237 = vector.shape_cast %get3A_236 : vector<1x1x16xf32> to vector<16xf32>
      %add3A_238 = arith.addf %scan3A_189, %get3A_237 : vector<16xf32>
      %get3A_239 = arith.constant 1 : i32
      %get3A_240 = arith.index_cast %get3A_239 : i32 to index
      %get3A_241 = arith.index_cast %scan3A_182 : i32 to index
      %get3A_242 = arith.constant 112 : index
      %get3A_243 = tpu.vector_load %arg4[%get3A_240, %get3A_241, %get3A_242] {strides = array<i32>} : memref<2x104x128xf32, #tpu.memory_space<vmem>>, vector<1x1x16xf32>,
      %get3A_244 = vector.shape_cast %get3A_243 : vector<1x1x16xf32> to vector<16xf32>
      %add3A_245 = arith.addf %scan3A_190, %get3A_244 : vector<16xf32>
      scf.yield %add3A_196, %add3A_203, %add3A_210, %add3A_217, %add3A_224, %add3A_231, %add3A_238, %add3A_245 : vector<16xf32>, vector<16xf32>, vector<16xf32>, vector<16xf32>, vector<16xf32>, vector<16xf32>, vector<16xf32>, vector<16xf32>
    }
    %scan3A_118 = arith.constant 104 : i32
    %add3A_119 = arith.constant 208 : i32
    %add3A_120 = arith.addi %mul3A_2, %add3A_119 : i32
    %dma_wait3A_121 = arith.constant 0 : i32
    %dma_wait3A_122 = arith.constant 0 : i32
    %dma_wait3A_123 = arith.constant 0 : i32
    %dma_wait3A_124 = arith.constant 0 : i32
    %dma_wait3A_125 = tpu.memref_slice %arg4[%dma_wait3A_121, %dma_wait3A_123, %dma_wait3A_124] : memref<2x104x128xf32, #tpu.memory_space<vmem>> -> memref<1x104x128xf32, #tpu.memory_space<vmem>>
    %dma_wait3A_126 = tpu.memref_squeeze %dma_wait3A_125 : memref<1x104x128xf32, #tpu.memory_space<vmem>> -> memref<104x128xf32, #tpu.memory_space<vmem>>
    %dma_wait3A_127 = arith.constant 0 : i32
    %dma_wait3A_128 = tpu.memref_slice %arg2[%add3A_120, %dma_wait3A_127] : memref<10000x128xf32, #tpu.memory_space<hbm>> -> memref<104x128xf32, #tpu.memory_space<hbm>>
    %dma_wait3A_129 = tpu.memref_slice %arg8[%dma_wait3A_122] : memref<2x!tpu.dma_semaphore, #tpu.memory_space<semaphore_mem>> -> memref<1x!tpu.dma_semaphore, #tpu.memory_space<semaphore_mem>>
    %dma_wait3A_130 = tpu.memref_squeeze %dma_wait3A_129 : memref<1x!tpu.dma_semaphore, #tpu.memory_space<semaphore_mem>> -> memref<!tpu.dma_semaphore, #tpu.memory_space<semaphore_mem>>
    %dma_wait3A_131 = arith.constant 0 : i32
    %dma_wait3A_132 = arith.constant 0 : i32
    %dma_wait3A_133 = tpu.memref_slice %arg4[%dma_wait3A_121, %dma_wait3A_131, %dma_wait3A_132] : memref<2x104x128xf32, #tpu.memory_space<vmem>> -> memref<1x104x128xf32, #tpu.memory_space<vmem>>
    %dma_wait3A_134 = tpu.memref_squeeze %dma_wait3A_133 : memref<1x104x128xf32, #tpu.memory_space<vmem>> -> memref<104x128xf32, #tpu.memory_space<vmem>>
    %dma_wait3A_135 = arith.constant 0 : i32
    %dma_wait3A_136 = tpu.memref_slice %arg2[%add3A_120, %dma_wait3A_135] : memref<10000x128xf32, #tpu.memory_space<hbm>> -> memref<104x128xf32, #tpu.memory_space<hbm>>
    tpu.wait_dma2 semaphore(%dma_wait3A_130 : memref<!tpu.dma_semaphore, #tpu.memory_space<semaphore_mem>>) src(%dma_wait3A_136 : memref<104x128xf32, #tpu.memory_space<hbm>>) dst(%dma_wait3A_134 : memref<104x128xf32, #tpu.memory_space<vmem>>)
    %scan3A_137 = arith.constant 0 : i32
    %scan3A_138 = arith.constant 104 : i32
    %scan3A_139 = arith.addi %scan3A_137, %scan3A_138 : i32
    %scan3A_140 = arith.constant 1 : i32
    %scan3A_141:8 = scf.for %scan3A_182 = %scan3A_137 to %scan3A_139 step %scan3A_140 iter_args(%scan3A_183 = %scan3A_117#0, %scan3A_184 = %scan3A_117#1, %scan3A_185 = %scan3A_117#2, %scan3A_186 = %scan3A_117#3, %scan3A_187 = %scan3A_117#4, %scan3A_188 = %scan3A_117#5, %scan3A_189 = %scan3A_117#6, %scan3A_190 = %scan3A_117#7) -> (vector<16xf32>, vector<16xf32>, vector<16xf32>, vector<16xf32>, vector<16xf32>, vector<16xf32>, vector<16xf32>, vector<16xf32>)  : i32 {
      %get3A = arith.constant 0 : i32
      %get3A_191 = arith.index_cast %get3A : i32 to index
      %get3A_192 = arith.index_cast %scan3A_182 : i32 to index
      %get3A_193 = arith.constant 0 : index
      %get3A_194 = tpu.vector_load %arg4[%get3A_191, %get3A_192, %get3A_193] {strides = array<i32>} : memref<2x104x128xf32, #tpu.memory_space<vmem>>, vector<1x1x16xf32>,
      %get3A_195 = vector.shape_cast %get3A_194 : vector<1x1x16xf32> to vector<16xf32>
      %add3A_196 = arith.addf %scan3A_183, %get3A_195 : vector<16xf32>
      %get3A_197 = arith.constant 0 : i32
      %get3A_198 = arith.index_cast %get3A_197 : i32 to index
      %get3A_199 = arith.index_cast %scan3A_182 : i32 to index
      %get3A_200 = arith.constant 16 : index
      %get3A_201 = tpu.vector_load %arg4[%get3A_198, %get3A_199, %get3A_200] {strides = array<i32>} : memref<2x104x128xf32, #tpu.memory_space<vmem>>, vector<1x1x16xf32>,
      %get3A_202 = vector.shape_cast %get3A_201 : vector<1x1x16xf32> to vector<16xf32>
      %add3A_203 = arith.addf %scan3A_184, %get3A_202 : vector<16xf32>
      %get3A_204 = arith.constant 0 : i32
      %get3A_205 = arith.index_cast %get3A_204 : i32 to index
      %get3A_206 = arith.index_cast %scan3A_182 : i32 to index
      %get3A_207 = arith.constant 32 : index
      %get3A_208 = tpu.vector_load %arg4[%get3A_205, %get3A_206, %get3A_207] {strides = array<i32>} : memref<2x104x128xf32, #tpu.memory_space<vmem>>, vector<1x1x16xf32>,
      %get3A_209 = vector.shape_cast %get3A_208 : vector<1x1x16xf32> to vector<16xf32>
      %add3A_210 = arith.addf %scan3A_185, %get3A_209 : vector<16xf32>
      %get3A_211 = arith.constant 0 : i32
      %get3A_212 = arith.index_cast %get3A_211 : i32 to index
      %get3A_213 = arith.index_cast %scan3A_182 : i32 to index
      %get3A_214 = arith.constant 48 : index
      %get3A_215 = tpu.vector_load %arg4[%get3A_212, %get3A_213, %get3A_214] {strides = array<i32>} : memref<2x104x128xf32, #tpu.memory_space<vmem>>, vector<1x1x16xf32>,
      %get3A_216 = vector.shape_cast %get3A_215 : vector<1x1x16xf32> to vector<16xf32>
      %add3A_217 = arith.addf %scan3A_186, %get3A_216 : vector<16xf32>
      %get3A_218 = arith.constant 0 : i32
      %get3A_219 = arith.index_cast %get3A_218 : i32 to index
      %get3A_220 = arith.index_cast %scan3A_182 : i32 to index
      %get3A_221 = arith.constant 64 : index
      %get3A_222 = tpu.vector_load %arg4[%get3A_219, %get3A_220, %get3A_221] {strides = array<i32>} : memref<2x104x128xf32, #tpu.memory_space<vmem>>, vector<1x1x16xf32>,
      %get3A_223 = vector.shape_cast %get3A_222 : vector<1x1x16xf32> to vector<16xf32>
      %add3A_224 = arith.addf %scan3A_187, %get3A_223 : vector<16xf32>
      %get3A_225 = arith.constant 0 : i32
      %get3A_226 = arith.index_cast %get3A_225 : i32 to index
      %get3A_227 = arith.index_cast %scan3A_182 : i32 to index
      %get3A_228 = arith.constant 80 : index
      %get3A_229 = tpu.vector_load %arg4[%get3A_226, %get3A_227, %get3A_228] {strides = array<i32>} : memref<2x104x128xf32, #tpu.memory_space<vmem>>, vector<1x1x16xf32>,
      %get3A_230 = vector.shape_cast %get3A_229 : vector<1x1x16xf32> to vector<16xf32>
      %add3A_231 = arith.addf %scan3A_188, %get3A_230 : vector<16xf32>
      %get3A_232 = arith.constant 0 : i32
      %get3A_233 = arith.index_cast %get3A_232 : i32 to index
      %get3A_234 = arith.index_cast %scan3A_182 : i32 to index
      %get3A_235 = arith.constant 96 : index
      %get3A_236 = tpu.vector_load %arg4[%get3A_233, %get3A_234, %get3A_235] {strides = array<i32>} : memref<2x104x128xf32, #tpu.memory_space<vmem>>, vector<1x1x16xf32>,
      %get3A_237 = vector.shape_cast %get3A_236 : vector<1x1x16xf32> to vector<16xf32>
      %add3A_238 = arith.addf %scan3A_189, %get3A_237 : vector<16xf32>
      %get3A_239 = arith.constant 0 : i32
      %get3A_240 = arith.index_cast %get3A_239 : i32 to index
      %get3A_241 = arith.index_cast %scan3A_182 : i32 to index
      %get3A_242 = arith.constant 112 : index
      %get3A_243 = tpu.vector_load %arg4[%get3A_240, %get3A_241, %get3A_242] {strides = array<i32>} : memref<2x104x128xf32, #tpu.memory_space<vmem>>, vector<1x1x16xf32>,
      %get3A_244 = vector.shape_cast %get3A_243 : vector<1x1x16xf32> to vector<16xf32>
      %add3A_245 = arith.addf %scan3A_190, %get3A_244 : vector<16xf32>
      scf.yield %add3A_196, %add3A_203, %add3A_210, %add3A_217, %add3A_224, %add3A_231, %add3A_238, %add3A_245 : vector<16xf32>, vector<16xf32>, vector<16xf32>, vector<16xf32>, vector<16xf32>, vector<16xf32>, vector<16xf32>, vector<16xf32>
    }
    %scan3A_142 = arith.constant 104 : i32
    %swap3A = arith.constant 0 : index
    %swap3A_143 = tpu.vector_load %arg6[%swap3A] {strides = array<i32>} : memref<128xf32, #tpu.memory_space<vmem>>, vector<16xf32>,
    %swap3A_144 = vector.shape_cast %swap3A_143 : vector<16xf32> to vector<16xf32>
    %swap3A_145 = vector.shape_cast %scan3A_141#0 : vector<16xf32> to vector<16xf32>
    tpu.vector_store %arg6[%swap3A], %swap3A_145 {strides = array<i32>} : memref<128xf32, #tpu.memory_space<vmem>>, vector<16xf32>,
    %swap3A_146 = arith.constant 16 : index
    %swap3A_147 = tpu.vector_load %arg6[%swap3A_146] {strides = array<i32>} : memref<128xf32, #tpu.memory_space<vmem>>, vector<16xf32>,
    %swap3A_148 = vector.shape_cast %swap3A_147 : vector<16xf32> to vector<16xf32>
    %swap3A_149 = vector.shape_cast %scan3A_141#1 : vector<16xf32> to vector<16xf32>
    tpu.vector_store %arg6[%swap3A_146], %swap3A_149 {strides = array<i32>} : memref<128xf32, #tpu.memory_space<vmem>>, vector<16xf32>,
    %swap3A_150 = arith.constant 32 : index
    %swap3A_151 = tpu.vector_load %arg6[%swap3A_150] {strides = array<i32>} : memref<128xf32, #tpu.memory_space<vmem>>, vector<16xf32>,
    %swap3A_152 = vector.shape_cast %swap3A_151 : vector<16xf32> to vector<16xf32>
    %swap3A_153 = vector.shape_cast %scan3A_141#2 : vector<16xf32> to vector<16xf32>
    tpu.vector_store %arg6[%swap3A_150], %swap3A_153 {strides = array<i32>} : memref<128xf32, #tpu.memory_space<vmem>>, vector<16xf32>,
    %swap3A_154 = arith.constant 48 : index
    %swap3A_155 = tpu.vector_load %arg6[%swap3A_154] {strides = array<i32>} : memref<128xf32, #tpu.memory_space<vmem>>, vector<16xf32>,
    %swap3A_156 = vector.shape_cast %swap3A_155 : vector<16xf32> to vector<16xf32>
    %swap3A_157 = vector.shape_cast %scan3A_141#3 : vector<16xf32> to vector<16xf32>
    tpu.vector_store %arg6[%swap3A_154], %swap3A_157 {strides = array<i32>} : memref<128xf32, #tpu.memory_space<vmem>>, vector<16xf32>,
    %swap3A_158 = arith.constant 64 : index
    %swap3A_159 = tpu.vector_load %arg6[%swap3A_158] {strides = array<i32>} : memref<128xf32, #tpu.memory_space<vmem>>, vector<16xf32>,
    %swap3A_160 = vector.shape_cast %swap3A_159 : vector<16xf32> to vector<16xf32>
    %swap3A_161 = vector.shape_cast %scan3A_141#4 : vector<16xf32> to vector<16xf32>
    tpu.vector_store %arg6[%swap3A_158], %swap3A_161 {strides = array<i32>} : memref<128xf32, #tpu.memory_space<vmem>>, vector<16xf32>,
    %swap3A_162 = arith.constant 80 : index
    %swap3A_163 = tpu.vector_load %arg6[%swap3A_162] {strides = array<i32>} : memref<128xf32, #tpu.memory_space<vmem>>, vector<16xf32>,
    %swap3A_164 = vector.shape_cast %swap3A_163 : vector<16xf32> to vector<16xf32>
    %swap3A_165 = vector.shape_cast %scan3A_141#5 : vector<16xf32> to vector<16xf32>
    tpu.vector_store %arg6[%swap3A_162], %swap3A_165 {strides = array<i32>} : memref<128xf32, #tpu.memory_space<vmem>>, vector<16xf32>,
    %swap3A_166 = arith.constant 96 : index
    %swap3A_167 = tpu.vector_load %arg6[%swap3A_166] {strides = array<i32>} : memref<128xf32, #tpu.memory_space<vmem>>, vector<16xf32>,
    %swap3A_168 = vector.shape_cast %swap3A_167 : vector<16xf32> to vector<16xf32>
    %swap3A_169 = vector.shape_cast %scan3A_141#6 : vector<16xf32> to vector<16xf32>
    tpu.vector_store %arg6[%swap3A_166], %swap3A_169 {strides = array<i32>} : memref<128xf32, #tpu.memory_space<vmem>>, vector<16xf32>,
    %swap3A_170 = arith.constant 112 : index
    %swap3A_171 = tpu.vector_load %arg6[%swap3A_170] {strides = array<i32>} : memref<128xf32, #tpu.memory_space<vmem>>, vector<16xf32>,
    %swap3A_172 = vector.shape_cast %swap3A_171 : vector<16xf32> to vector<16xf32>
    %swap3A_173 = vector.shape_cast %scan3A_141#7 : vector<16xf32> to vector<16xf32>
    tpu.vector_store %arg6[%swap3A_170], %swap3A_173 {strides = array<i32>} : memref<128xf32, #tpu.memory_space<vmem>>, vector<16xf32>,
    %convert_element_type3A_174 = arith.extui %eq3A_20 : i1 to i32
    %cond3A_175 = arith.constant 0 : i32
    %cond3A_176 = arith.cmpi ne, %convert_element_type3A_174, %cond3A_175 : i32
    scf.if %cond3A_176 {
      %dma_wait3A_182 = arith.constant 9984 : i32
      %dma_wait3A_183 = arith.constant 0 : i32
      %dma_wait3A_184 = tpu.memref_slice %arg2[%dma_wait3A_182, %dma_wait3A_183] : memref<10000x128xf32, #tpu.memory_space<hbm>> -> memref<16x128xf32, #tpu.memory_space<hbm>>
      %dma_wait3A_185 = arith.constant 9984 : i32
      %dma_wait3A_186 = arith.constant 0 : i32
      %dma_wait3A_187 = tpu.memref_slice %arg2[%dma_wait3A_185, %dma_wait3A_186] : memref<10000x128xf32, #tpu.memory_space<hbm>> -> memref<16x128xf32, #tpu.memory_space<hbm>>
      tpu.wait_dma2 semaphore(%arg9 : memref<!tpu.dma_semaphore, #tpu.memory_space<semaphore_mem>>) src(%dma_wait3A_187 : memref<16x128xf32, #tpu.memory_space<hbm>>) dst(%arg5 : memref<16x128xf32, #tpu.memory_space<vmem>>)
      %scan3A_188 = arith.constant 0 : i32
      %scan3A_189 = arith.constant 0 : i32
      %scan3A_190 = arith.constant 16 : i32
      %scan3A_191 = arith.addi %scan3A_189, %scan3A_190 : i32
      %scan3A_192 = arith.constant 1 : i32
      %scan3A_193 = scf.for %scan3A_195 = %scan3A_189 to %scan3A_191 step %scan3A_192 iter_args(%scan3A_196 = %scan3A_188) -> (i32)  : i32 {
        %get3A = arith.constant 0 : index
        %get3A_197 = tpu.vector_load %arg6[%get3A] {strides = array<i32>} : memref<128xf32, #tpu.memory_space<vmem>>, vector<16xf32>,
        %get3A_198 = vector.shape_cast %get3A_197 : vector<16xf32> to vector<16xf32>
        %get3A_199 = arith.index_cast %scan3A_195 : i32 to index
        %get3A_200 = arith.constant 0 : index
        %get3A_201 = tpu.vector_load %arg5[%get3A_199, %get3A_200] {strides = array<i32>} : memref<16x128xf32, #tpu.memory_space<vmem>>, vector<1x16xf32>,
        %get3A_202 = vector.shape_cast %get3A_201 : vector<1x16xf32> to vector<16xf32>
        %add3A_203 = arith.addf %get3A_198, %get3A_202 : vector<16xf32>
        %swap3A_204 = arith.constant 0 : index
        %swap3A_205 = tpu.vector_load %arg6[%swap3A_204] {strides = array<i32>} : memref<128xf32, #tpu.memory_space<vmem>>, vector<16xf32>,
        %swap3A_206 = vector.shape_cast %swap3A_205 : vector<16xf32> to vector<16xf32>
        %swap3A_207 = vector.shape_cast %add3A_203 : vector<16xf32> to vector<16xf32>
        tpu.vector_store %arg6[%swap3A_204], %swap3A_207 {strides = array<i32>} : memref<128xf32, #tpu.memory_space<vmem>>, vector<16xf32>,
        %get3A_208 = arith.constant 16 : index
        %get3A_209 = tpu.vector_load %arg6[%get3A_208] {strides = array<i32>} : memref<128xf32, #tpu.memory_space<vmem>>, vector<16xf32>,
        %get3A_210 = vector.shape_cast %get3A_209 : vector<16xf32> to vector<16xf32>
        %get3A_211 = arith.index_cast %scan3A_195 : i32 to index
        %get3A_212 = arith.constant 16 : index
        %get3A_213 = tpu.vector_load %arg5[%get3A_211, %get3A_212] {strides = array<i32>} : memref<16x128xf32, #tpu.memory_space<vmem>>, vector<1x16xf32>,
        %get3A_214 = vector.shape_cast %get3A_213 : vector<1x16xf32> to vector<16xf32>
        %add3A_215 = arith.addf %get3A_210, %get3A_214 : vector<16xf32>
        %swap3A_216 = arith.constant 16 : index
        %swap3A_217 = tpu.vector_load %arg6[%swap3A_216] {strides = array<i32>} : memref<128xf32, #tpu.memory_space<vmem>>, vector<16xf32>,
        %swap3A_218 = vector.shape_cast %swap3A_217 : vector<16xf32> to vector<16xf32>
        %swap3A_219 = vector.shape_cast %add3A_215 : vector<16xf32> to vector<16xf32>
        tpu.vector_store %arg6[%swap3A_216], %swap3A_219 {strides = array<i32>} : memref<128xf32, #tpu.memory_space<vmem>>, vector<16xf32>,
        %get3A_220 = arith.constant 32 : index
        %get3A_221 = tpu.vector_load %arg6[%get3A_220] {strides = array<i32>} : memref<128xf32, #tpu.memory_space<vmem>>, vector<16xf32>,
        %get3A_222 = vector.shape_cast %get3A_221 : vector<16xf32> to vector<16xf32>
        %get3A_223 = arith.index_cast %scan3A_195 : i32 to index
        %get3A_224 = arith.constant 32 : index
        %get3A_225 = tpu.vector_load %arg5[%get3A_223, %get3A_224] {strides = array<i32>} : memref<16x128xf32, #tpu.memory_space<vmem>>, vector<1x16xf32>,
        %get3A_226 = vector.shape_cast %get3A_225 : vector<1x16xf32> to vector<16xf32>
        %add3A_227 = arith.addf %get3A_222, %get3A_226 : vector<16xf32>
        %swap3A_228 = arith.constant 32 : index
        %swap3A_229 = tpu.vector_load %arg6[%swap3A_228] {strides = array<i32>} : memref<128xf32, #tpu.memory_space<vmem>>, vector<16xf32>,
        %swap3A_230 = vector.shape_cast %swap3A_229 : vector<16xf32> to vector<16xf32>
        %swap3A_231 = vector.shape_cast %add3A_227 : vector<16xf32> to vector<16xf32>
        tpu.vector_store %arg6[%swap3A_228], %swap3A_231 {strides = array<i32>} : memref<128xf32, #tpu.memory_space<vmem>>, vector<16xf32>,
        %get3A_232 = arith.constant 48 : index
        %get3A_233 = tpu.vector_load %arg6[%get3A_232] {strides = array<i32>} : memref<128xf32, #tpu.memory_space<vmem>>, vector<16xf32>,
        %get3A_234 = vector.shape_cast %get3A_233 : vector<16xf32> to vector<16xf32>
        %get3A_235 = arith.index_cast %scan3A_195 : i32 to index
        %get3A_236 = arith.constant 48 : index
        %get3A_237 = tpu.vector_load %arg5[%get3A_235, %get3A_236] {strides = array<i32>} : memref<16x128xf32, #tpu.memory_space<vmem>>, vector<1x16xf32>,
        %get3A_238 = vector.shape_cast %get3A_237 : vector<1x16xf32> to vector<16xf32>
        %add3A_239 = arith.addf %get3A_234, %get3A_238 : vector<16xf32>
        %swap3A_240 = arith.constant 48 : index
        %swap3A_241 = tpu.vector_load %arg6[%swap3A_240] {strides = array<i32>} : memref<128xf32, #tpu.memory_space<vmem>>, vector<16xf32>,
        %swap3A_242 = vector.shape_cast %swap3A_241 : vector<16xf32> to vector<16xf32>
        %swap3A_243 = vector.shape_cast %add3A_239 : vector<16xf32> to vector<16xf32>
        tpu.vector_store %arg6[%swap3A_240], %swap3A_243 {strides = array<i32>} : memref<128xf32, #tpu.memory_space<vmem>>, vector<16xf32>,
        %get3A_244 = arith.constant 64 : index
        %get3A_245 = tpu.vector_load %arg6[%get3A_244] {strides = array<i32>} : memref<128xf32, #tpu.memory_space<vmem>>, vector<16xf32>,
        %get3A_246 = vector.shape_cast %get3A_245 : vector<16xf32> to vector<16xf32>
        %get3A_247 = arith.index_cast %scan3A_195 : i32 to index
        %get3A_248 = arith.constant 64 : index
        %get3A_249 = tpu.vector_load %arg5[%get3A_247, %get3A_248] {strides = array<i32>} : memref<16x128xf32, #tpu.memory_space<vmem>>, vector<1x16xf32>,
        %get3A_250 = vector.shape_cast %get3A_249 : vector<1x16xf32> to vector<16xf32>
        %add3A_251 = arith.addf %get3A_246, %get3A_250 : vector<16xf32>
        %swap3A_252 = arith.constant 64 : index
        %swap3A_253 = tpu.vector_load %arg6[%swap3A_252] {strides = array<i32>} : memref<128xf32, #tpu.memory_space<vmem>>, vector<16xf32>,
        %swap3A_254 = vector.shape_cast %swap3A_253 : vector<16xf32> to vector<16xf32>
        %swap3A_255 = vector.shape_cast %add3A_251 : vector<16xf32> to vector<16xf32>
        tpu.vector_store %arg6[%swap3A_252], %swap3A_255 {strides = array<i32>} : memref<128xf32, #tpu.memory_space<vmem>>, vector<16xf32>,
        %get3A_256 = arith.constant 80 : index
        %get3A_257 = tpu.vector_load %arg6[%get3A_256] {strides = array<i32>} : memref<128xf32, #tpu.memory_space<vmem>>, vector<16xf32>,
        %get3A_258 = vector.shape_cast %get3A_257 : vector<16xf32> to vector<16xf32>
        %get3A_259 = arith.index_cast %scan3A_195 : i32 to index
        %get3A_260 = arith.constant 80 : index
        %get3A_261 = tpu.vector_load %arg5[%get3A_259, %get3A_260] {strides = array<i32>} : memref<16x128xf32, #tpu.memory_space<vmem>>, vector<1x16xf32>,
        %get3A_262 = vector.shape_cast %get3A_261 : vector<1x16xf32> to vector<16xf32>
        %add3A_263 = arith.addf %get3A_258, %get3A_262 : vector<16xf32>
        %swap3A_264 = arith.constant 80 : index
        %swap3A_265 = tpu.vector_load %arg6[%swap3A_264] {strides = array<i32>} : memref<128xf32, #tpu.memory_space<vmem>>, vector<16xf32>,
        %swap3A_266 = vector.shape_cast %swap3A_265 : vector<16xf32> to vector<16xf32>
        %swap3A_267 = vector.shape_cast %add3A_263 : vector<16xf32> to vector<16xf32>
        tpu.vector_store %arg6[%swap3A_264], %swap3A_267 {strides = array<i32>} : memref<128xf32, #tpu.memory_space<vmem>>, vector<16xf32>,
        %get3A_268 = arith.constant 96 : index
        %get3A_269 = tpu.vector_load %arg6[%get3A_268] {strides = array<i32>} : memref<128xf32, #tpu.memory_space<vmem>>, vector<16xf32>,
        %get3A_270 = vector.shape_cast %get3A_269 : vector<16xf32> to vector<16xf32>
        %get3A_271 = arith.index_cast %scan3A_195 : i32 to index
        %get3A_272 = arith.constant 96 : index
        %get3A_273 = tpu.vector_load %arg5[%get3A_271, %get3A_272] {strides = array<i32>} : memref<16x128xf32, #tpu.memory_space<vmem>>, vector<1x16xf32>,
        %get3A_274 = vector.shape_cast %get3A_273 : vector<1x16xf32> to vector<16xf32>
        %add3A_275 = arith.addf %get3A_270, %get3A_274 : vector<16xf32>
        %swap3A_276 = arith.constant 96 : index
        %swap3A_277 = tpu.vector_load %arg6[%swap3A_276] {strides = array<i32>} : memref<128xf32, #tpu.memory_space<vmem>>, vector<16xf32>,
        %swap3A_278 = vector.shape_cast %swap3A_277 : vector<16xf32> to vector<16xf32>
        %swap3A_279 = vector.shape_cast %add3A_275 : vector<16xf32> to vector<16xf32>
        tpu.vector_store %arg6[%swap3A_276], %swap3A_279 {strides = array<i32>} : memref<128xf32, #tpu.memory_space<vmem>>, vector<16xf32>,
        %get3A_280 = arith.constant 112 : index
        %get3A_281 = tpu.vector_load %arg6[%get3A_280] {strides = array<i32>} : memref<128xf32, #tpu.memory_space<vmem>>, vector<16xf32>,
        %get3A_282 = vector.shape_cast %get3A_281 : vector<16xf32> to vector<16xf32>
        %get3A_283 = arith.index_cast %scan3A_195 : i32 to index
        %get3A_284 = arith.constant 112 : index
        %get3A_285 = tpu.vector_load %arg5[%get3A_283, %get3A_284] {strides = array<i32>} : memref<16x128xf32, #tpu.memory_space<vmem>>, vector<1x16xf32>,
        %get3A_286 = vector.shape_cast %get3A_285 : vector<1x16xf32> to vector<16xf32>
        %add3A_287 = arith.addf %get3A_282, %get3A_286 : vector<16xf32>
        %swap3A_288 = arith.constant 112 : index
        %swap3A_289 = tpu.vector_load %arg6[%swap3A_288] {strides = array<i32>} : memref<128xf32, #tpu.memory_space<vmem>>, vector<16xf32>,
        %swap3A_290 = vector.shape_cast %swap3A_289 : vector<16xf32> to vector<16xf32>
        %swap3A_291 = vector.shape_cast %add3A_287 : vector<16xf32> to vector<16xf32>
        tpu.vector_store %arg6[%swap3A_288], %swap3A_291 {strides = array<i32>} : memref<128xf32, #tpu.memory_space<vmem>>, vector<16xf32>,
        %scan3A_292 = arith.constant 0 : i32
        scf.yield %scan3A_292 : i32
      }
      %scan3A_194 = arith.constant 16 : i32
    } else {
    }
    "tpu.region"() ({
      %run_scoped3A = tpu.sem_alloc : memref<!tpu.dma_semaphore, #tpu.memory_space<semaphore_mem>>
      %dma_start3A_182 = arith.constant 0 : i32
      %dma_start3A_183 = tpu.memref_slice %arg7[%arg1, %dma_start3A_182] : memref<16x128xf32, #tpu.memory_space<vmem_shared>> -> memref<1x128xf32, #tpu.memory_space<vmem_shared>>
      %dma_start3A_184 = tpu.memref_squeeze %dma_start3A_183 : memref<1x128xf32, #tpu.memory_space<vmem_shared>> -> memref<128xf32, #tpu.memory_space<vmem_shared>>
      %dma_start3A_185 = arith.constant 0 : i32
      %dma_start3A_186 = tpu.memref_slice %arg7[%arg1, %dma_start3A_185] : memref<16x128xf32, #tpu.memory_space<vmem_shared>> -> memref<1x128xf32, #tpu.memory_space<vmem_shared>>
      %dma_start3A_187 = tpu.memref_squeeze %dma_start3A_186 : memref<1x128xf32, #tpu.memory_space<vmem_shared>> -> memref<128xf32, #tpu.memory_space<vmem_shared>>
      tpu.enqueue_dma source(%arg6 : memref<128xf32, #tpu.memory_space<vmem>>) target(%dma_start3A_187 : memref<128xf32, #tpu.memory_space<vmem_shared>>) target_semaphore(%run_scoped3A : memref<!tpu.dma_semaphore, #tpu.memory_space<semaphore_mem>>)
      %dma_wait3A_188 = arith.constant 0 : i32
      %dma_wait3A_189 = tpu.memref_slice %arg7[%arg1, %dma_wait3A_188] : memref<16x128xf32, #tpu.memory_space<vmem_shared>> -> memref<1x128xf32, #tpu.memory_space<vmem_shared>>
      %dma_wait3A_190 = tpu.memref_squeeze %dma_wait3A_189 : memref<1x128xf32, #tpu.memory_space<vmem_shared>> -> memref<128xf32, #tpu.memory_space<vmem_shared>>
      %dma_wait3A_191 = arith.constant 0 : i32
      %dma_wait3A_192 = tpu.memref_slice %arg7[%arg1, %dma_wait3A_191] : memref<16x128xf32, #tpu.memory_space<vmem_shared>> -> memref<1x128xf32, #tpu.memory_space<vmem_shared>>
      %dma_wait3A_193 = tpu.memref_squeeze %dma_wait3A_192 : memref<1x128xf32, #tpu.memory_space<vmem_shared>> -> memref<128xf32, #tpu.memory_space<vmem_shared>>
      tpu.wait_dma2 semaphore(%run_scoped3A : memref<!tpu.dma_semaphore, #tpu.memory_space<semaphore_mem>>) src(%arg6 : memref<128xf32, #tpu.memory_space<vmem>>) dst(%dma_wait3A_193 : memref<128xf32, #tpu.memory_space<vmem_shared>>)
      tpu.yield
    }) : () -> ()
    %barrier3A = arith.constant 0 : index
    tpu.barrier barrier_id(%barrier3A)
    %eq3A_177 = arith.constant 0 : i32
    %eq3A_178 = arith.cmpi eq, %arg1, %eq3A_177 : i32
    %convert_element_type3A_179 = arith.extui %eq3A_178 : i1 to i32
    %cond3A_180 = arith.constant 0 : i32
    %cond3A_181 = arith.cmpi ne, %convert_element_type3A_179, %cond3A_180 : i32
    scf.if %cond3A_181 {
      %run_scoped3A = arith.constant 0 : i32
      "tpu.region"() ({
        %run_scoped3A_236 = tpu.sem_alloc : memref<!tpu.dma_semaphore, #tpu.memory_space<semaphore_mem>>
        %dma_start3A_237 = arith.constant 0 : i32
        %dma_start3A_238 = arith.constant 0 : i32
        %dma_start3A_239 = tpu.memref_slice %arg4[%run_scoped3A, %dma_start3A_237, %dma_start3A_238] : memref<2x104x128xf32, #tpu.memory_space<vmem>> -> memref<1x16x128xf32, #tpu.memory_space<vmem>>
        %dma_start3A_240 = tpu.memref_squeeze %dma_start3A_239 : memref<1x16x128xf32, #tpu.memory_space<vmem>> -> memref<16x128xf32, #tpu.memory_space<vmem>>
        %dma_start3A_241 = arith.constant 0 : i32
        %dma_start3A_242 = arith.constant 0 : i32
        %dma_start3A_243 = tpu.memref_slice %arg4[%run_scoped3A, %dma_start3A_241, %dma_start3A_242] : memref<2x104x128xf32, #tpu.memory_space<vmem>> -> memref<1x16x128xf32, #tpu.memory_space<vmem>>
        %dma_start3A_244 = tpu.memref_squeeze %dma_start3A_243 : memref<1x16x128xf32, #tpu.memory_space<vmem>> -> memref<16x128xf32, #tpu.memory_space<vmem>>
        tpu.enqueue_dma source(%arg7 : memref<16x128xf32, #tpu.memory_space<vmem_shared>>) target(%dma_start3A_244 : memref<16x128xf32, #tpu.memory_space<vmem>>) target_semaphore(%run_scoped3A_236 : memref<!tpu.dma_semaphore, #tpu.memory_space<semaphore_mem>>)
        %dma_wait3A_245 = arith.constant 0 : i32
        %dma_wait3A_246 = arith.constant 0 : i32
        %dma_wait3A_247 = tpu.memref_slice %arg4[%run_scoped3A, %dma_wait3A_245, %dma_wait3A_246] : memref<2x104x128xf32, #tpu.memory_space<vmem>> -> memref<1x16x128xf32, #tpu.memory_space<vmem>>
        %dma_wait3A_248 = tpu.memref_squeeze %dma_wait3A_247 : memref<1x16x128xf32, #tpu.memory_space<vmem>> -> memref<16x128xf32, #tpu.memory_space<vmem>>
        %dma_wait3A_249 = arith.constant 0 : i32
        %dma_wait3A_250 = arith.constant 0 : i32
        %dma_wait3A_251 = tpu.memref_slice %arg4[%run_scoped3A, %dma_wait3A_249, %dma_wait3A_250] : memref<2x104x128xf32, #tpu.memory_space<vmem>> -> memref<1x16x128xf32, #tpu.memory_space<vmem>>
        %dma_wait3A_252 = tpu.memref_squeeze %dma_wait3A_251 : memref<1x16x128xf32, #tpu.memory_space<vmem>> -> memref<16x128xf32, #tpu.memory_space<vmem>>
        tpu.wait_dma2 semaphore(%run_scoped3A_236 : memref<!tpu.dma_semaphore, #tpu.memory_space<semaphore_mem>>) src(%arg7 : memref<16x128xf32, #tpu.memory_space<vmem_shared>>) dst(%dma_wait3A_252 : memref<16x128xf32, #tpu.memory_space<vmem>>)
        tpu.yield
      }) : () -> ()
      %broadcast_in_dim3A_182 = arith.constant 0.000000e+00 : f32
      %broadcast_in_dim3A_183 = vector.broadcast %broadcast_in_dim3A_182 : f32 to vector<16xf32>
      %broadcast_in_dim3A_184 = arith.constant 0.000000e+00 : f32
      %broadcast_in_dim3A_185 = vector.broadcast %broadcast_in_dim3A_184 : f32 to vector<16xf32>
      %broadcast_in_dim3A_186 = arith.constant 0.000000e+00 : f32
      %broadcast_in_dim3A_187 = vector.broadcast %broadcast_in_dim3A_186 : f32 to vector<16xf32>
      %broadcast_in_dim3A_188 = arith.constant 0.000000e+00 : f32
      %broadcast_in_dim3A_189 = vector.broadcast %broadcast_in_dim3A_188 : f32 to vector<16xf32>
      %broadcast_in_dim3A_190 = arith.constant 0.000000e+00 : f32
      %broadcast_in_dim3A_191 = vector.broadcast %broadcast_in_dim3A_190 : f32 to vector<16xf32>
      %broadcast_in_dim3A_192 = arith.constant 0.000000e+00 : f32
      %broadcast_in_dim3A_193 = vector.broadcast %broadcast_in_dim3A_192 : f32 to vector<16xf32>
      %broadcast_in_dim3A_194 = arith.constant 0.000000e+00 : f32
      %broadcast_in_dim3A_195 = vector.broadcast %broadcast_in_dim3A_194 : f32 to vector<16xf32>
      %broadcast_in_dim3A_196 = arith.constant 0.000000e+00 : f32
      %broadcast_in_dim3A_197 = vector.broadcast %broadcast_in_dim3A_196 : f32 to vector<16xf32>
      %scan3A_198 = arith.constant 0 : i32
      %scan3A_199 = arith.constant 16 : i32
      %scan3A_200 = arith.addi %scan3A_198, %scan3A_199 : i32
      %scan3A_201 = arith.constant 1 : i32
      %scan3A_202:8 = scf.for %scan3A_236 = %scan3A_198 to %scan3A_200 step %scan3A_201 iter_args(%scan3A_237 = %broadcast_in_dim3A_183, %scan3A_238 = %broadcast_in_dim3A_185, %scan3A_239 = %broadcast_in_dim3A_187, %scan3A_240 = %broadcast_in_dim3A_189, %scan3A_241 = %broadcast_in_dim3A_191, %scan3A_242 = %broadcast_in_dim3A_193, %scan3A_243 = %broadcast_in_dim3A_195, %scan3A_244 = %broadcast_in_dim3A_197) -> (vector<16xf32>, vector<16xf32>, vector<16xf32>, vector<16xf32>, vector<16xf32>, vector<16xf32>, vector<16xf32>, vector<16xf32>)  : i32 {
        %get3A = arith.constant 0 : i32
        %get3A_245 = arith.index_cast %get3A : i32 to index
        %get3A_246 = arith.index_cast %scan3A_236 : i32 to index
        %get3A_247 = arith.constant 0 : index
        %get3A_248 = tpu.vector_load %arg4[%get3A_245, %get3A_246, %get3A_247] {strides = array<i32>} : memref<2x104x128xf32, #tpu.memory_space<vmem>>, vector<1x1x16xf32>,
        %get3A_249 = vector.shape_cast %get3A_248 : vector<1x1x16xf32> to vector<16xf32>
        %add3A_250 = arith.addf %scan3A_237, %get3A_249 : vector<16xf32>
        %get3A_251 = arith.constant 0 : i32
        %get3A_252 = arith.index_cast %get3A_251 : i32 to index
        %get3A_253 = arith.index_cast %scan3A_236 : i32 to index
        %get3A_254 = arith.constant 16 : index
        %get3A_255 = tpu.vector_load %arg4[%get3A_252, %get3A_253, %get3A_254] {strides = array<i32>} : memref<2x104x128xf32, #tpu.memory_space<vmem>>, vector<1x1x16xf32>,
        %get3A_256 = vector.shape_cast %get3A_255 : vector<1x1x16xf32> to vector<16xf32>
        %add3A_257 = arith.addf %scan3A_238, %get3A_256 : vector<16xf32>
        %get3A_258 = arith.constant 0 : i32
        %get3A_259 = arith.index_cast %get3A_258 : i32 to index
        %get3A_260 = arith.index_cast %scan3A_236 : i32 to index
        %get3A_261 = arith.constant 32 : index
        %get3A_262 = tpu.vector_load %arg4[%get3A_259, %get3A_260, %get3A_261] {strides = array<i32>} : memref<2x104x128xf32, #tpu.memory_space<vmem>>, vector<1x1x16xf32>,
        %get3A_263 = vector.shape_cast %get3A_262 : vector<1x1x16xf32> to vector<16xf32>
        %add3A_264 = arith.addf %scan3A_239, %get3A_263 : vector<16xf32>
        %get3A_265 = arith.constant 0 : i32
        %get3A_266 = arith.index_cast %get3A_265 : i32 to index
        %get3A_267 = arith.index_cast %scan3A_236 : i32 to index
        %get3A_268 = arith.constant 48 : index
        %get3A_269 = tpu.vector_load %arg4[%get3A_266, %get3A_267, %get3A_268] {strides = array<i32>} : memref<2x104x128xf32, #tpu.memory_space<vmem>>, vector<1x1x16xf32>,
        %get3A_270 = vector.shape_cast %get3A_269 : vector<1x1x16xf32> to vector<16xf32>
        %add3A_271 = arith.addf %scan3A_240, %get3A_270 : vector<16xf32>
        %get3A_272 = arith.constant 0 : i32
        %get3A_273 = arith.index_cast %get3A_272 : i32 to index
        %get3A_274 = arith.index_cast %scan3A_236 : i32 to index
        %get3A_275 = arith.constant 64 : index
        %get3A_276 = tpu.vector_load %arg4[%get3A_273, %get3A_274, %get3A_275] {strides = array<i32>} : memref<2x104x128xf32, #tpu.memory_space<vmem>>, vector<1x1x16xf32>,
        %get3A_277 = vector.shape_cast %get3A_276 : vector<1x1x16xf32> to vector<16xf32>
        %add3A_278 = arith.addf %scan3A_241, %get3A_277 : vector<16xf32>
        %get3A_279 = arith.constant 0 : i32
        %get3A_280 = arith.index_cast %get3A_279 : i32 to index
        %get3A_281 = arith.index_cast %scan3A_236 : i32 to index
        %get3A_282 = arith.constant 80 : index
        %get3A_283 = tpu.vector_load %arg4[%get3A_280, %get3A_281, %get3A_282] {strides = array<i32>} : memref<2x104x128xf32, #tpu.memory_space<vmem>>, vector<1x1x16xf32>,
        %get3A_284 = vector.shape_cast %get3A_283 : vector<1x1x16xf32> to vector<16xf32>
        %add3A_285 = arith.addf %scan3A_242, %get3A_284 : vector<16xf32>
        %get3A_286 = arith.constant 0 : i32
        %get3A_287 = arith.index_cast %get3A_286 : i32 to index
        %get3A_288 = arith.index_cast %scan3A_236 : i32 to index
        %get3A_289 = arith.constant 96 : index
        %get3A_290 = tpu.vector_load %arg4[%get3A_287, %get3A_288, %get3A_289] {strides = array<i32>} : memref<2x104x128xf32, #tpu.memory_space<vmem>>, vector<1x1x16xf32>,
        %get3A_291 = vector.shape_cast %get3A_290 : vector<1x1x16xf32> to vector<16xf32>
        %add3A_292 = arith.addf %scan3A_243, %get3A_291 : vector<16xf32>
        %get3A_293 = arith.constant 0 : i32
        %get3A_294 = arith.index_cast %get3A_293 : i32 to index
        %get3A_295 = arith.index_cast %scan3A_236 : i32 to index
        %get3A_296 = arith.constant 112 : index
        %get3A_297 = tpu.vector_load %arg4[%get3A_294, %get3A_295, %get3A_296] {strides = array<i32>} : memref<2x104x128xf32, #tpu.memory_space<vmem>>, vector<1x1x16xf32>,
        %get3A_298 = vector.shape_cast %get3A_297 : vector<1x1x16xf32> to vector<16xf32>
        %add3A_299 = arith.addf %scan3A_244, %get3A_298 : vector<16xf32>
        scf.yield %add3A_250, %add3A_257, %add3A_264, %add3A_271, %add3A_278, %add3A_285, %add3A_292, %add3A_299 : vector<16xf32>, vector<16xf32>, vector<16xf32>, vector<16xf32>, vector<16xf32>, vector<16xf32>, vector<16xf32>, vector<16xf32>
      }
      %scan3A_203 = arith.constant 16 : i32
      %swap3A_204 = arith.constant 0 : index
      %swap3A_205 = tpu.vector_load %arg6[%swap3A_204] {strides = array<i32>} : memref<128xf32, #tpu.memory_space<vmem>>, vector<16xf32>,
      %swap3A_206 = vector.shape_cast %swap3A_205 : vector<16xf32> to vector<16xf32>
      %swap3A_207 = vector.shape_cast %scan3A_202#0 : vector<16xf32> to vector<16xf32>
      tpu.vector_store %arg6[%swap3A_204], %swap3A_207 {strides = array<i32>} : memref<128xf32, #tpu.memory_space<vmem>>, vector<16xf32>,
      %swap3A_208 = arith.constant 16 : index
      %swap3A_209 = tpu.vector_load %arg6[%swap3A_208] {strides = array<i32>} : memref<128xf32, #tpu.memory_space<vmem>>, vector<16xf32>,
      %swap3A_210 = vector.shape_cast %swap3A_209 : vector<16xf32> to vector<16xf32>
      %swap3A_211 = vector.shape_cast %scan3A_202#1 : vector<16xf32> to vector<16xf32>
      tpu.vector_store %arg6[%swap3A_208], %swap3A_211 {strides = array<i32>} : memref<128xf32, #tpu.memory_space<vmem>>, vector<16xf32>,
      %swap3A_212 = arith.constant 32 : index
      %swap3A_213 = tpu.vector_load %arg6[%swap3A_212] {strides = array<i32>} : memref<128xf32, #tpu.memory_space<vmem>>, vector<16xf32>,
      %swap3A_214 = vector.shape_cast %swap3A_213 : vector<16xf32> to vector<16xf32>
      %swap3A_215 = vector.shape_cast %scan3A_202#2 : vector<16xf32> to vector<16xf32>
      tpu.vector_store %arg6[%swap3A_212], %swap3A_215 {strides = array<i32>} : memref<128xf32, #tpu.memory_space<vmem>>, vector<16xf32>,
      %swap3A_216 = arith.constant 48 : index
      %swap3A_217 = tpu.vector_load %arg6[%swap3A_216] {strides = array<i32>} : memref<128xf32, #tpu.memory_space<vmem>>, vector<16xf32>,
      %swap3A_218 = vector.shape_cast %swap3A_217 : vector<16xf32> to vector<16xf32>
      %swap3A_219 = vector.shape_cast %scan3A_202#3 : vector<16xf32> to vector<16xf32>
      tpu.vector_store %arg6[%swap3A_216], %swap3A_219 {strides = array<i32>} : memref<128xf32, #tpu.memory_space<vmem>>, vector<16xf32>,
      %swap3A_220 = arith.constant 64 : index
      %swap3A_221 = tpu.vector_load %arg6[%swap3A_220] {strides = array<i32>} : memref<128xf32, #tpu.memory_space<vmem>>, vector<16xf32>,
      %swap3A_222 = vector.shape_cast %swap3A_221 : vector<16xf32> to vector<16xf32>
      %swap3A_223 = vector.shape_cast %scan3A_202#4 : vector<16xf32> to vector<16xf32>
      tpu.vector_store %arg6[%swap3A_220], %swap3A_223 {strides = array<i32>} : memref<128xf32, #tpu.memory_space<vmem>>, vector<16xf32>,
      %swap3A_224 = arith.constant 80 : index
      %swap3A_225 = tpu.vector_load %arg6[%swap3A_224] {strides = array<i32>} : memref<128xf32, #tpu.memory_space<vmem>>, vector<16xf32>,
      %swap3A_226 = vector.shape_cast %swap3A_225 : vector<16xf32> to vector<16xf32>
      %swap3A_227 = vector.shape_cast %scan3A_202#5 : vector<16xf32> to vector<16xf32>
      tpu.vector_store %arg6[%swap3A_224], %swap3A_227 {strides = array<i32>} : memref<128xf32, #tpu.memory_space<vmem>>, vector<16xf32>,
      %swap3A_228 = arith.constant 96 : index
      %swap3A_229 = tpu.vector_load %arg6[%swap3A_228] {strides = array<i32>} : memref<128xf32, #tpu.memory_space<vmem>>, vector<16xf32>,
      %swap3A_230 = vector.shape_cast %swap3A_229 : vector<16xf32> to vector<16xf32>
      %swap3A_231 = vector.shape_cast %scan3A_202#6 : vector<16xf32> to vector<16xf32>
      tpu.vector_store %arg6[%swap3A_228], %swap3A_231 {strides = array<i32>} : memref<128xf32, #tpu.memory_space<vmem>>, vector<16xf32>,
      %swap3A_232 = arith.constant 112 : index
      %swap3A_233 = tpu.vector_load %arg6[%swap3A_232] {strides = array<i32>} : memref<128xf32, #tpu.memory_space<vmem>>, vector<16xf32>,
      %swap3A_234 = vector.shape_cast %swap3A_233 : vector<16xf32> to vector<16xf32>
      %swap3A_235 = vector.shape_cast %scan3A_202#7 : vector<16xf32> to vector<16xf32>
      tpu.vector_store %arg6[%swap3A_232], %swap3A_235 {strides = array<i32>} : memref<128xf32, #tpu.memory_space<vmem>>, vector<16xf32>,
      "tpu.region"() ({
        %run_scoped3A_236 = tpu.sem_alloc : memref<!tpu.dma_semaphore, #tpu.memory_space<semaphore_mem>>
        %dma_start3A_237 = arith.constant 0 : i32
        %dma_start3A_238 = tpu.memref_slice %arg3[%arg0, %dma_start3A_237] : memref<2x128xf32, #tpu.memory_space<hbm>> -> memref<1x128xf32, #tpu.memory_space<hbm>>
        %dma_start3A_239 = tpu.memref_squeeze %dma_start3A_238 : memref<1x128xf32, #tpu.memory_space<hbm>> -> memref<128xf32, #tpu.memory_space<hbm>>
        %dma_start3A_240 = arith.constant 0 : i32
        %dma_start3A_241 = tpu.memref_slice %arg3[%arg0, %dma_start3A_240] : memref<2x128xf32, #tpu.memory_space<hbm>> -> memref<1x128xf32, #tpu.memory_space<hbm>>
        %dma_start3A_242 = tpu.memref_squeeze %dma_start3A_241 : memref<1x128xf32, #tpu.memory_space<hbm>> -> memref<128xf32, #tpu.memory_space<hbm>>
        tpu.enqueue_dma source(%arg6 : memref<128xf32, #tpu.memory_space<vmem>>) target(%dma_start3A_242 : memref<128xf32, #tpu.memory_space<hbm>>) target_semaphore(%run_scoped3A_236 : memref<!tpu.dma_semaphore, #tpu.memory_space<semaphore_mem>>)
        %dma_wait3A_243 = arith.constant 0 : i32
        %dma_wait3A_244 = tpu.memref_slice %arg3[%arg0, %dma_wait3A_243] : memref<2x128xf32, #tpu.memory_space<hbm>> -> memref<1x128xf32, #tpu.memory_space<hbm>>
        %dma_wait3A_245 = tpu.memref_squeeze %dma_wait3A_244 : memref<1x128xf32, #tpu.memory_space<hbm>> -> memref<128xf32, #tpu.memory_space<hbm>>
        %dma_wait3A_246 = arith.constant 0 : i32
        %dma_wait3A_247 = tpu.memref_slice %arg3[%arg0, %dma_wait3A_246] : memref<2x128xf32, #tpu.memory_space<hbm>> -> memref<1x128xf32, #tpu.memory_space<hbm>>
        %dma_wait3A_248 = tpu.memref_squeeze %dma_wait3A_247 : memref<1x128xf32, #tpu.memory_space<hbm>> -> memref<128xf32, #tpu.memory_space<hbm>>
        tpu.wait_dma2 semaphore(%run_scoped3A_236 : memref<!tpu.dma_semaphore, #tpu.memory_space<semaphore_mem>>) src(%arg6 : memref<128xf32, #tpu.memory_space<vmem>>) dst(%dma_wait3A_248 : memref<128xf32, #tpu.memory_space<hbm>>)
        tpu.yield
      }) : () -> ()
    } else {
    }
    return
  }
}

module attributes {stable_mosaic.version = 14 : i64} {
  func.func @_tc_body(%arg0: i32, %arg1: memref<2x128xf32, #tpu.memory_space<vmem>>, %arg2: memref<1x128xf32, #tpu.memory_space<vmem>>, %arg3: memref<1x128xf32, #tpu.memory_space<vmem>>) attributes {dimension_semantics = [#tpu.dimension_semantics<arbitrary>], iteration_bounds = array<i64: 1>, scalar_prefetch = 0 : i64, scratch_operands = 0 : i64, tpu.core_type = #tpu.core_type<tc>, window_params = [{pipeline_mode = #tpu.pipeline_mode<synchronous>, transform_indices = @transform_0, window_bounds = array<i64: 2, 128>}, {pipeline_mode = #tpu.pipeline_mode<synchronous>, transform_indices = @transform_1, window_bounds = array<i64: 1, 128>}, {pipeline_mode = #tpu.pipeline_mode<synchronous>, transform_indices = @transform_2, window_bounds = array<i64: 1, 128>}]} {
    %get3A = arith.constant 0 : index
    %get3A_0 = arith.constant 0 : index
    %get3A_1 = vector.load %arg1[%get3A, %get3A_0] : memref<2x128xf32, #tpu.memory_space<vmem>>, vector<2x128xf32>
    %reduce_sum3A = arith.constant dense<0.000000e+00> : vector<128xf32>
    %reduce_sum3A_2 = vector.multi_reduction <add>, %get3A_1, %reduce_sum3A [0] : vector<2x128xf32> to vector<128xf32>
    %broadcast_in_dim3A = vector.shape_cast %reduce_sum3A_2 : vector<128xf32> to vector<1x128xf32>
    %mul3A = arith.constant 9.99999974E-5 : f32
    %mul3A_3 = vector.broadcast %mul3A : f32 to vector<1x128xf32>
    %mul3A_4 = arith.mulf %broadcast_in_dim3A, %mul3A_3 : vector<1x128xf32>
    %swap3A = arith.constant 0 : index
    %swap3A_5 = arith.constant 0 : index
    %swap3A_6 = vector.load %arg2[%swap3A, %swap3A_5] : memref<1x128xf32, #tpu.memory_space<vmem>>, vector<1x128xf32>
    tpu.vector_store %arg2[%swap3A, %swap3A_5], %mul3A_4 {strides = array<i32>} : memref<1x128xf32, #tpu.memory_space<vmem>>, vector<1x128xf32>,
    %reduce_max3A = arith.constant dense<0xFF800000> : vector<1xf32>
    %reduce_max3A_7 = vector.multi_reduction <maximumf>, %mul3A_4, %reduce_max3A [1] : vector<1x128xf32> to vector<1xf32>
    %broadcast_in_dim3A_8 = vector.shape_cast %reduce_max3A_7 : vector<1xf32> to vector<1x1xf32>
    %sub3A = vector.broadcast %broadcast_in_dim3A_8 : vector<1x1xf32> to vector<1x128xf32>
    %sub3A_9 = arith.subf %mul3A_4, %sub3A : vector<1x128xf32>
    %exp3A = math.exp %sub3A_9 : vector<1x128xf32>
    %reduce_sum3A_10 = arith.constant dense<0.000000e+00> : vector<1xf32>
    %reduce_sum3A_11 = vector.multi_reduction <add>, %exp3A, %reduce_sum3A_10 [1] : vector<1x128xf32> to vector<1xf32>
    %broadcast_in_dim3A_12 = vector.shape_cast %reduce_sum3A_11 : vector<1xf32> to vector<1x1xf32>
    %div3A = vector.broadcast %broadcast_in_dim3A_12 : vector<1x1xf32> to vector<1x128xf32>
    %div3A_13 = arith.divf %exp3A, %div3A : vector<1x128xf32>
    %swap3A_14 = arith.constant 0 : index
    %swap3A_15 = arith.constant 0 : index
    %swap3A_16 = vector.load %arg3[%swap3A_14, %swap3A_15] : memref<1x128xf32, #tpu.memory_space<vmem>>, vector<1x128xf32>
    tpu.vector_store %arg3[%swap3A_14, %swap3A_15], %div3A_13 {strides = array<i32>} : memref<1x128xf32, #tpu.memory_space<vmem>>, vector<1x128xf32>,
    return
  }
  func.func @transform_0(%arg0: i32) -> (i32, i32) {
    %c0_i32 = arith.constant 0 : i32
    %c0_i32_0 = arith.constant 0 : i32
    %c0_i32_1 = arith.constant 0 : i32
    return %c0_i32, %c0_i32_0 : i32, i32
  }
  func.func @transform_1(%arg0: i32) -> (i32, i32) {
    %c0_i32 = arith.constant 0 : i32
    %c0_i32_0 = arith.constant 0 : i32
    %c0_i32_1 = arith.constant 0 : i32
    return %c0_i32, %c0_i32_0 : i32, i32
  }
  func.func @transform_2(%arg0: i32) -> (i32, i32) {
    %c0_i32 = arith.constant 0 : i32
    %c0_i32_0 = arith.constant 0 : i32
    %c0_i32_1 = arith.constant 0 : i32
    return %c0_i32, %c0_i32_0 : i32, i32
  }
}

</mosaic_0001>

<sc_bundles>
// kernel: _run.4.cloned.1.call-start
scs
__scs_entry_jumppad:
0x0: {  	(pc) =	sbr.rel $0x88, $3  }
0x1: {  	(tag) =	ssettag $0x0;
	lr =	simm.s32 $0x1  }
0x2: {  	[smem:$0x3FA0] =	sst lr;
	_ =	strace $0xD0000000  }
0x3: {  	_ = 	snop  }
0x4: {  	_ = 	snop  }
0x5: {  	_ = 	snop  }
0x6: {  	_ = 	snop  }
0x7: {  	_ = 	snop  }
__scs_overlays_trampoline_lowered:
0x8: {  	[smem:$0x3FAF] =	sst s0  }
0x9: {  	[smem:$0x3FB0] =	sst s1  }
0xa: {  	[smem:$0x3FB1] =	sst s2  }
0xb: {  	[smem:$0x3FB2] =	sst s3  }
0xc: {  	[smem:$0x3FB3] =	sst s4  }
0xd: {  	[smem:$0x3FB4] =	sst s5  }
0xe: {  	[smem:$0x3FB5] =	sst s6  }
0xf: {  	[smem:$0x3FB6] =	sst s7  }
0x10: {  	[smem:$0x3FB7] =	sst s8  }
0x11: {  	[smem:$0x3FB8] =	sst s9;
	s0 =	simm.s32 @!p0 $0x0  }
0x12: {  	s1 =	sld [smem:$0x3F9E];
	s0 =	simm.s32 @p0 $0x1  }
0x13: {  	[smem:$0x3FB9] =	sst s0;
	s0 =	simm.s32 @!p1 $0x0  }
0x14: {  	s2 =	sld [smem:$0x3F9D];
	s0 =	simm.s32 @p1 $0x1  }
0x15: {  	[smem:$0x3FBA] =	sst s0;
	s0 =	simm.s32 @!p2 $0x0  }
0x16: {  	s3 =	sld [smem:$0x3FDB];
	s0 =	simm.s32 @p2 $0x1  }
0x17: {  	s4 =	simm.s32 $0x1BF5;
	[smem:$0x3FBC] =	sst s0  }
0x18: {  	s0 =	sld [smem:$0x3F9F];
	_ =	swait.ge [sflag:s4], $0x0  }
0x19: {  	s7 =	sld [smem:$0x3FA0]  }
0x1a: {  	s8 =	sadd.s32 $0xFFFFE003, lr  }
0x1b: {  	s9 =	sadd.s32 $0xFFFFFEF7, lr;
	s5 =	simm.s32 $0xFFFFFFFF;
	p2 =	slt.u32 s8, $0xFFFFF086  }
0x1c: {  	p1 =	slt.u32 s9, $0xF7A;
	s5 =	simm.s32 @!p2 $0x0  }
0x1d: {  	s5 =	simm.s32 @p1 $0x1;
	p0 =	seq.s32 s7, s2  }
0x1e: {  	s7 =	smul.u32 @!p0 $0xF7A, s2;
	p2 =	seq.s32 @!p0 s5, $0x0  }
0x1f: {  	s9 =	smul.u32 $0xF7A, s1;
	s8 =	simm.s32 @!p0 $0x1BF5;
	p2 =	por !p2, p0  }
0x20: {  	[sflag:s8] =	ssyncset.s32 @!p0 $0xFFFFF086;
	s6 =	sadd.s32 @!p0 s3, s7;
	s7 =	simm.s32 @!p0 $0x108  }
0x21: {  	s3 =	sadd.s32 s3, s9;
	s6 =	sadd.s32 @!p0 $0x88, s6;
	s7 =	simm.s32 @p2 $0x1082  }
0x22: {  	[simem:s7], [sflag:s8] =	dma.local @!p0 [hbm:s6], $0xF7A  }
0x23: {  	s9 =	sor.u32 $0xD0000000, s2;
	s6 =	simm.s32 $0x108;
	_ =	swait.ge @!p0 [sflag:s8], $0x0  }
0x24: {  	s3 =	sadd.s32 $0x88, s3;
	s6 =	simm.s32 @!p1 $0x1082;
	[sflag:s4] =	ssyncset.s32 $0xFFFFF086  }
0x25: {  	[simem:s6], [sflag:s4] =	dma.local [hbm:s3], $0xF7A  }
0x26: {  	[smem:$0x3FA0] =	sst s1;
	(tag) =	ssettag s2;
	_ =	strace s9  }
0x27: {  	s1 =	sld [smem:$0x3FB0]  }
0x28: {  	s2 =	sld [smem:$0x3FB1]  }
0x29: {  	s4 =	sld [smem:$0x3FB3]  }
0x2a: {  	p0 =	seq.s32 s5, $0x0;
	s5 =	sld [smem:$0x3FB4]  }
0x2b: {  	s6 =	sld [smem:$0x3FB5]  }
0x2c: {  	s7 =	sld [smem:$0x3FB6]  }
0x2d: {  	s3 =	simm.s32 $0x108;
	s8 =	sld [smem:$0x3FB7]  }
0x2e: {  	s3 =	simm.s32 @!p0 $0x1082;
	s9 =	sld [smem:$0x3FB8]  }
0x2f: {  	lr =	sadd.s32 s0, s3;
	s0 =	sld [smem:$0x3FAF]  }
0x30: {  	s3 =	sld [smem:$0x3FB2]  }
0x31: {  	[smem:$0x3FBB] =	sst s10  }
0x32: {  	s10 =	sld [smem:$0x3FB9];
	_ =	sdelay $0x3  }
0x33: {  	p0 =	seq.s32 s10, $0x1;
	s10 =	sld [smem:$0x3FBB];
	_ =	sdelay $0x3  }
0x34: {  	[smem:$0x3FBB] =	sst s10  }
0x35: {  	s10 =	sld [smem:$0x3FBA];
	_ =	sdelay $0x3  }
0x36: {  	p1 =	seq.s32 s10, $0x1;
	s10 =	sld [smem:$0x3FBB];
	_ =	sdelay $0x3  }
0x37: {  	[smem:$0x3FBB] =	sst s10  }
0x38: {  	s10 =	sld [smem:$0x3FBC]  }
0x39: {  	_ = 	snop;
	(pc) =	sbr.ind lr, $3  }
0x3a: {  	_ = 	snop  }
0x3b: {  	_ = 	snop  }
0x3c: {  	p2 =	seq.s32 s10, $0x1;
	s10 =	sld [smem:$0x3FBB]  }
0x3d: {  	_ =	shalt  }
0x3e: {  	_ =	shalt  }
0x3f: {  	_ =	shalt  }
0x40: {  	_ =	shalt  }
0x41: {  	_ =	shalt  }
0x42: {  	_ =	shalt  }
0x43: {  	_ =	shalt  }
0x44: {  	_ =	shalt  }
0x45: {  	_ =	shalt  }
0x46: {  	_ =	shalt  }
0x47: {  	_ =	shalt  }
0x48: {  	_ =	shalt  }
0x49: {  	_ =	shalt  }
0x4a: {  	_ =	shalt  }
0x4b: {  	_ =	shalt  }
0x4c: {  	_ =	shalt  }
0x4d: {  	_ =	shalt  }
0x4e: {  	_ =	shalt  }
0x4f: {  	_ =	shalt  }
0x50: {  	_ =	shalt  }
0x51: {  	_ =	shalt  }
0x52: {  	_ =	shalt  }
0x53: {  	_ =	shalt  }
0x54: {  	_ =	shalt  }
0x55: {  	_ =	shalt  }
0x56: {  	_ =	shalt  }
0x57: {  	_ =	shalt  }
0x58: {  	_ =	shalt  }
0x59: {  	_ =	shalt  }
0x5a: {  	_ =	shalt  }
0x5b: {  	_ =	shalt  }
0x5c: {  	_ =	shalt  }
0x5d: {  	_ =	shalt  }
0x5e: {  	_ =	shalt  }
0x5f: {  	_ =	shalt  }
0x60: {  	_ =	shalt  }
0x61: {  	_ =	shalt  }
0x62: {  	_ =	shalt  }
0x63: {  	_ =	shalt  }
0x64: {  	_ =	shalt  }
0x65: {  	_ =	shalt  }
0x66: {  	_ =	shalt  }
0x67: {  	_ =	shalt  }
0x68: {  	_ =	shalt  }
0x69: {  	_ =	shalt  }
0x6a: {  	_ =	shalt  }
0x6b: {  	_ =	shalt  }
0x6c: {  	_ =	shalt  }
0x6d: {  	_ =	shalt  }
0x6e: {  	_ =	shalt  }
0x6f: {  	_ =	shalt  }
0x70: {  	_ =	shalt  }
0x71: {  	_ =	shalt  }
0x72: {  	_ =	shalt  }
0x73: {  	_ =	shalt  }
0x74: {  	_ =	shalt  }
0x75: {  	_ =	shalt  }
0x76: {  	_ =	shalt  }
0x77: {  	_ =	shalt  }
0x78: {  	_ =	shalt  }
0x79: {  	_ =	shalt  }
0x7a: {  	_ =	shalt  }
0x7b: {  	_ =	shalt  }
0x7c: {  	_ =	shalt  }
0x7d: {  	_ =	shalt  }
0x7e: {  	_ =	shalt  }
0x7f: {  	_ =	shalt  }
0x80: {  	_ =	shalt  }
0x81: {  	_ =	shalt  }
0x82: {  	_ =	shalt  }
0x83: {  	_ =	shalt  }
0x84: {  	_ =	shalt  }
0x85: {  	_ =	shalt  }
0x86: {  	_ =	shalt  }
0x87: {  	_ =	shalt  }
.Lfunc_end0:
.L_simem_size_0:
called_computation_lowered:
.L_overlay_start_0:
0x88: {  	s2 =	sld [smem:$0x3FD9]  }
0x89: {  	s3 =	sld [smem:$0x3FFE];
	_ =	sdelay $0x1  }
0x8a: {  	s1 =	srdreg.scid  }
0x8b: {  	s0 =	sand.u32 $0x1, s1  }
0x8c: {  	s15 =	sshll.u32 s0, $0xA;
	s2 =	sadd.s32 s3, s2  }
0x8d: {  	s2 =	sadd.s32 s2, s15  }
0x8e: {  	[smem:$0x3FC7] =	sst s2  }
0x8f: {  	_ = 	snop  }
0x90: {  	s2 =	sld [smem:$0x3FD0];
	_ =	sdelay $0x2  }
0x91: {  	s4 =	simm.s32 $0xA;
	s5 =	simm.s32 $0x10;
	s16 =	sld [smem:$0x3FC9]  }
0x92: {  	[smem:s5], [sflag:s4] =	dma.local [hbm:s2], $0x1  }
0x93: {  	_ =	swait.eq [sflag:s4], $0x1  }
0x94: {  	[sflag:s4] =	ssyncset.done $0x0  }
0x95: {  	[sflag:s4] =	ssyncadd.s32 $0xFFFFFFFF  }
0x96: {  	s17 =	sld [smem:$0x10];
	(tm) =	ssettm $0x1  }
0x97: {  	s18 =	sld [smem:$0x3FFB];
	_ =	sdelay $0x3  }
0x98: {  	_ =	strace s18  }
0x99: {  	s4 =	sld [smem:$0x3FFC];
	_ =	sdelay $0x3  }
0x9a: {  	_ =	strace s4  }
0x9b: {  	s4 =	sld [smem:$0x3FFD];
	_ =	sdelay $0x3  }
0x9c: {  	_ =	strace s4  }
0x9d: {  	_ =	strace $0x8FFFFFFF  }
0x9e: {  	s19 =	sld [smem:$0x3FDB];
	_ =	sdelay $0x1  }
0x9f: {  	s20 =	simm.s32 $_scs_section_size  }
0xa0: {  	s6 =	simm.s32 $_size__tile_overlayer_lowered;
	s7 =	simm.s32 $_tile_overlayer_lowered  }
0xa1: {  	s23 =	simm.s32 $0x1BFF;
	s22 =	sshll.u32 s7, $0x1;
	s4 =	sadd.s32 s20, s19  }
0xa2: {  	s8 =	simm.s32 $0x0;
	s21 =	sshll.u32 s6, $0x1;
	s6 =	sadd.s32 s22, s4  }
0xa3: {  	[timem:s8], [sflag:s23] =	dma.local [hbm:s6], s21  }
0xa4: {  	_ =	swait.ge [sflag:s23], s21  }
0xa5: {  	s5 =	ssub.s32 $0x0, s21;
	[sflag:s23] =	ssyncset.done $0x0  }
0xa6: {  	[sflag:s23] =	ssyncadd.s32 s5;
	_ =	sdelay $0x1  }
0xa7: {  	s24 =	simm.s32 $0x1B8B  }
0xa8: {  	_ =	swait.ge [sflag:s24], $0x1  }
0xa9: {  	[sflag:s24] =	ssyncset.done $0x0  }
0xaa: {  	s25 =	simm.s32 $0x1B8E;
	[sflag:s24] =	ssyncadd.s32 $0xFFFFFFFF  }
0xab: {  	s26 =	simm.s32 $execute0_lowered;
	[smem:$0x3FD2] =	sst s25  }
0xac: {  	s5 =	sshll.u32 s26, $0x1;
	_ =	strace $0x80000046;
	[dreg:$0x1] =	wrdreg $0xFFFFFFFF  }
0xad: {  	s28 =	simm.s32 $_size_execute0_lowered;
	s4 =	sadd.s32 s4, s5;
	[dreg:$0x0] =	wrdreg $0x0  }
0xae: {  	s5 =	sshll.u32 s28, $0x1;
	[dreg:$0x2] =	wrdreg s4  }
0xaf: {  	[dreg:$0x3] =	wrdreg s5  }
0xb0: {  	[dreg:$0x4] =	wrdreg $0xC0  }
0xb1: {  	_ =	task [dreg:s8], $0x5FFFF  }
0xb2: {  	[dreg:$0x1] =	wrdreg $0xFFFFFFFF  }
0xb3: {  	[dreg:$0x0] =	wrdreg $0x60  }
0xb4: {  	[dreg:$0x2] =	wrdreg s16  }
0xb5: {  	[dreg:$0x3] =	wrdreg s17  }
0xb6: {  	[dreg:$0x4] =	wrdreg $0x70800  }
0xb7: {  	[dreg:$0x5] =	wrdreg $0x9  }
0xb8: {  	_ =	task.clear_ibuf [dreg:s8], $0x6FFFF;
	_ =	strace $0x90000046  }
0xb9: {  	s29 =	simm.s32 $0x9;
	_ =	strace $0x80000048  }
0xba: {  	_ =	swait.ge [sflag:s29], $0x1  }
0xbb: {  	[sflag:s29] =	ssyncadd.s32 $0xFFFFFFFF  }
0xbc: {  	_ =	strace $0x90000048  }
0xbd: {  	_ =	sfence  }
0xbe: {  	s30 =	sld [smem:$0x0];
	_ =	sdelay $0x2  }
0xbf: {  	s31 =	sshll.u32 s1, $0xD;
	s1 =	sshrl.u32 s1, $0x2  }
0xc0: {  	s3 =	sand.u32 $0x4000, s31;
	s1 =	sadd.s32 s1, s30  }
0xc1: {  	s0 =	sor.u32 s3, s0;
	s1 =	sshll.u32 s1, $0x11  }
0xc2: {  	s0 =	sor.u32 s1, s0  }
0xc3: {  	s0 =	sadd.s32 $0x8F2B, s0  }
0xc4: {  	[sflag:s0] =	ssyncadd.remote.s32 $0x1  }
0xc5: {  	_ =	sfence.sel $0xFFFF  }
0xc6: {  	[dreg:$0x0] =	wrdreg $0xFFFFFFFF;
	(pc) =	sbr.abs _section_cstart, $3  }
0xc7: {  	[dreg:$0x1] =	wrdreg $0xFFFFFFFF  }
0xc8: {  	_ =	task.clear_ibuf [dreg:s8], $0x2FFFF;
	_ =	strace $0x9FFFFFFF  }
0xc9: {  	(tm) =	ssettm $0x7FFFFFFF  }
tec
execute0_lowered:
.L_overlay_start_1:
0x0: {  	(tag) =	ssettag $0x1  }
0x1: {  	s4 =	rddreg [dreg:$0x0]  }
0x2: {  	s0 =	srdreg.scid;
	s8 =	rddreg [dreg:$0x1]  }
0x3: {  	s14 =	stileid.u32;
	s1 =	rddreg [dreg:$0x2]  }
0x4: {  	s2 =	simm.s32 $0x0;
	s13 =	simm.s32 $0x3;
	s15 =	simm.s32 $0x4  }
0x5: {  	s16 =	simm.s32 $0x0;
	s7 =	sand.u32 $0x1, s0;
	s0 =	rddreg [dreg:$0x3]  }
0x6: {  	s29 =	sshll.u32 s14, $0x1;
	[smem:$0x7FF] =	sst s2;
	s31 =	sshll.u32 s14, $0x7  }
0x7: {  	p0 =	sne.s32 s14, $0x0;
	s14 =	simm.s32 $0x7000;
	s10 =	sor.u32 s7, s29  }
0x8: {  	s5 =	ssub.s32 $0x2, s7;
	_ =	strace $0x80000047;
	s3 =	smul.u32 $0x9C00, s10  }
0x9: {  	s12 =	sshll.u32 s7, $0x4;
	s7 =	sadd.s32 s31, s1;
	s9 =	smul.u32 $0x1380, s10  }
.Ltmp0:
0xa: {  	s6 =	sshrl.u32 s5, $0x1;
	s8 =	sadd.s32 s8, s12;
	(pc) =	sbr.rel .LBB2_1-.Ltmp0, $4  }
0xb: {  	p1 =	sne.s32 s10, $0x0;
	s10 =	simm.s32 $0x3400;
	s3 =	sshrl.u32 s3, $0x3  }
0xc: {  	s12 =	simm.s32 $0x2;
	s11 =	ssub.s32 s5, s6;
	s30 =	sadd.s32 s4, s3  }
0xd: {  	s3 =	sadd.s32 s4, s9;
	s4 =	sadd.s32 $0x27000, s4;
	s9 =	smax.u32 s11, $0x1  }
0xe: {  	s11 =	simm.s32 $0x1;
	s5 =	sadd.s32 $0x680, s30;
	s6 =	sadd.s32 $0xD00, s30  }
.LBB2_14:
0xf: {  	v14 =	vld [tilespmem:s17+$0x0]  }
0x10: {  	v15 =	vld [tilespmem:s17+$0x10]  }
0x11: {  	v16 =	vld [tilespmem:s17+$0x20]  }
0x12: {  	v17 =	vld [tilespmem:s17+$0x30]  }
0x13: {  	v18 =	vld [tilespmem:s17+$0x40]  }
0x14: {  	v1 =	vadd.f32 v11, v1;
	v59 =	vld [tilespmem:s17+$0x50];
	v5 =	vadd.f32 v14, v5  }
0x15: {  	v6 =	vadd.f32 v10, v6;
	v60 =	vld [tilespmem:s17+$0x60];
	v3 =	vadd.f32 v15, v3  }
0x16: {  	v13 =	vld [tilespmem:s17+$0x70];
	v7 =	vadd.f32 v7, v8;
	v1 =	vadd.f32 v16, v1;
	[tilespmem:$0x7000] =	vst v5  }
0x17: {  	v4 =	vadd.f32 v9, v4;
	v61 =	vadd.f32 v17, v6;
	[tilespmem:$0x7010] =	vst v3  }
0x18: {  	v2 =	vadd.f32 v12, v2;
	v62 =	vadd.f32 v18, v7;
	[tilespmem:$0x7020] =	vst v1  }
0x19: {  	v63 =	vadd.f32 v59, v4;
	[tilespmem:$0x7030] =	vst v61  }
0x1a: {  	v2 =	vadd.f32 v60, v2;
	[tilespmem:$0x7040] =	vst v62  }
0x1b: {  	v0 =	vadd.f32 v13, v0;
	[tilespmem:$0x7050] =	vst v63  }
0x1c: {  	[tilespmem:$0x7060] =	vst v2  }
0x1d: {  	[tilespmem:$0x7070] =	vst v0  }
0x1e: {  	[hbm4b:s8+s2] =	stream.linear.scatter [tilespmem:s14], [sflag:$0x4], $0x80, $0x38;
	[tilespmem:$0x7100] =	vst v63  }
0x1f: {  	_ =	swait.ge [sflag:s15], $0x80  }
0x20: {  	[sflag:s15] =	ssyncset.done $0x0  }
0x21: {  	[sflag:s15] =	ssyncadd.s32 $0xFFFFFF80  }
.LBB2_15:
0x22: {  	s16 =	sadd.s32 $0x1, s16  }
0x23: {  	p2 =	sne.s32 s16, s9  }
.Ltmp1:
0x24: {  	_ = 	snop;
	(pc) =	sbr.rel @!p2 .LBB2_16-.Ltmp1, $1  }
0x25: {  	_ =	sdelay $0x3  }
.LBB2_1:
0x26: {  	[tilespmem:s2], [sflag:$0x1] =	stream.linear.gather [hbm4b:s3+s2], $0x3400, $0x38;
	[tilespmem:$0x7100] =	vst v63  }
0x27: {  	s17 =	simm.s32 @!p1 $0x0;
	s18 =	simm.s32 @!p1 $0x6800  }
0x28: {  	[tilespmem:s18], [sflag:$0x3] =	stream.linear.gather @!p1 [hbm4b:s4+s17], $0x800, $0x38;
	[tilespmem:$0x7100] =	vst v63  }
0x29: {  	_ = 	snop  }
0x2a: {  	[tilespmem:s10], [sflag:$0x2] =	stream.linear.gather [hbm4b:s5+s2], $0x3400, $0x38;
	[tilespmem:$0x7100] =	vst v63  }
0x2b: {  	_ =	swait.ge [sflag:s11], $0x3400  }
0x2c: {  	[sflag:s11] =	ssyncset.done $0x0  }
0x2d: {  	s19 =	simm.s32 $0x0;
	[sflag:s11] =	ssyncadd.s32 $0xFFFFCC00  }
0x2e: {  	v0 =	vld [tilespmem:s19+$0x70]  }
0x2f: {  	v2 =	vld [tilespmem:s19+$0x0]  }
0x30: {  	v4 =	vld [tilespmem:s19+$0x10]  }
0x31: {  	v5 =	vld [tilespmem:s19+$0x20]  }
0x32: {  	v8 =	vld [tilespmem:s19+$0x30]  }
0x33: {  	v3 =	vimm.f32 $0.0e+00;
	v9 =	vimm.f32 $0.0e+00;
	v6 =	vld [tilespmem:s19+$0x40]  }
0x34: {  	v10 =	vimm.f32 $0.0e+00;
	v7 =	vimm.f32 $0.0e+00;
	v11 =	vld [tilespmem:s19+$0x50];
	v1 =	vadd.f32 v0, v3  }
0x35: {  	s17 =	simm.s32 $0x80;
	s18 =	simm.s32 $0x400;
	v12 =	vld [tilespmem:s19+$0x60];
	v0 =	vadd.f32 v2, v3;
	v2 =	vadd.f32 v4, v3;
	v4 =	vimm.f32 $0.0e+00  }
.LBB2_2:
0x36: {  	p2 =	sne.s32 s18, $0xCE00;
	v13 =	vld [tilespmem:s17+$0x70];
	v3 =	vadd.f32 v5, v3  }
0x37: {  	v14 =	vld [tilespmem:s17+$0x0];
	v4 =	vadd.f32 v8, v4  }
0x38: {  	v15 =	vld [tilespmem:s17+$0x10];
	v9 =	vadd.f32 v6, v9  }
.Ltmp2:
0x39: {  	v5 =	vld [tilespmem:s17+$0x20];
	v10 =	vadd.f32 v11, v10;
	(pc) =	sbr.rel @p2 .LBB2_2-.Ltmp2, $4  }
0x3a: {  	v8 =	vld [tilespmem:s17+$0x30];
	v7 =	vadd.f32 v12, v7  }
0x3b: {  	v6 =	vld [tilespmem:s17+$0x40];
	v1 =	vadd.f32 v13, v1  }
0x3c: {  	v0 =	vadd.f32 v14, v0;
	v11 =	vld [tilespmem:s17+$0x50]  }
0x3d: {  	v2 =	vadd.f32 v15, v2;
	v12 =	vld [tilespmem:s17+$0x60];
	s17 =	sshra.s32 s18, $0x2;
	s18 =	sadd.s32 $0x200, s18  }
0x3e: {  	v13 =	vld [tilespmem:s17+$0x70]  }
0x3f: {  	v14 =	vld [tilespmem:s17+$0x0]  }
0x40: {  	v15 =	vld [tilespmem:s17+$0x10]  }
0x41: {  	v16 =	vld [tilespmem:s17+$0x20]  }
0x42: {  	v17 =	vld [tilespmem:s17+$0x30]  }
0x43: {  	v18 =	vld [tilespmem:s17+$0x40]  }
0x44: {  	v19 =	vld [tilespmem:s17+$0x50];
	s31 =	simm.s32 $0x0  }
0x45: {  	v20 =	vld [tilespmem:s17+$0x60];
	[tilespmem:s31], [sflag:$0x1] =	stream.linear.gather [hbm4b:s6+s31], $0x3400, $0x38  }
0x46: {  	_ =	swait.ge [sflag:s12], $0x3400  }
0x47: {  	[sflag:s12] =	ssyncset.done $0x0  }
0x48: {  	s19 =	simm.s32 $0x0;
	[sflag:s12] =	ssyncadd.s32 $0xFFFFCC00  }
0x49: {  	v3 =	vadd.f32 v5, v3;
	v4 =	vadd.f32 v8, v4;
	v5 =	vld [tilespmem:s19+$0x3470]  }
0x4a: {  	v6 =	vadd.f32 v6, v9;
	v10 =	vadd.f32 v11, v10;
	v21 =	vld [tilespmem:s19+$0x3400]  }
0x4b: {  	v7 =	vadd.f32 v12, v7;
	v11 =	vadd.f32 v13, v1;
	v12 =	vld [tilespmem:s19+$0x3410]  }
0x4c: {  	v13 =	vadd.f32 v14, v0;
	v14 =	vadd.f32 v15, v2;
	v8 =	vld [tilespmem:s19+$0x3420]  }
0x4d: {  	v0 =	vadd.f32 v16, v3;
	v1 =	vadd.f32 v17, v4;
	v9 =	vld [tilespmem:s19+$0x3430]  }
0x4e: {  	v2 =	vadd.f32 v18, v6;
	v3 =	vadd.f32 v19, v10;
	v10 =	vld [tilespmem:s19+$0x3440]  }
0x4f: {  	v4 =	vadd.f32 v20, v7;
	v5 =	vadd.f32 v5, v11;
	v11 =	vld [tilespmem:s19+$0x3450]  }
0x50: {  	s17 =	simm.s32 $0x80;
	s18 =	simm.s32 $0x400;
	v6 =	vadd.f32 v21, v13;
	v7 =	vadd.f32 v12, v14;
	v12 =	vld [tilespmem:s19+$0x3460]  }
.LBB2_4:
0x51: {  	p2 =	sne.s32 s18, $0xCE00;
	v13 =	vld [tilespmem:s17+$0x3470];
	v0 =	vadd.f32 v8, v0  }
0x52: {  	v14 =	vld [tilespmem:s17+$0x3400];
	v1 =	vadd.f32 v9, v1  }
0x53: {  	v15 =	vld [tilespmem:s17+$0x3410];
	v2 =	vadd.f32 v10, v2  }
.Ltmp3:
0x54: {  	v8 =	vld [tilespmem:s17+$0x3420];
	v3 =	vadd.f32 v11, v3;
	(pc) =	sbr.rel @p2 .LBB2_4-.Ltmp3, $4  }
0x55: {  	v9 =	vld [tilespmem:s17+$0x3430];
	v4 =	vadd.f32 v12, v4  }
0x56: {  	v10 =	vld [tilespmem:s17+$0x3440];
	v5 =	vadd.f32 v13, v5  }
0x57: {  	v6 =	vadd.f32 v14, v6;
	v11 =	vld [tilespmem:s17+$0x3450]  }
0x58: {  	v7 =	vadd.f32 v15, v7;
	v12 =	vld [tilespmem:s17+$0x3460];
	s17 =	sshra.s32 s18, $0x2;
	s18 =	sadd.s32 $0x200, s18  }
0x59: {  	v13 =	vld [tilespmem:s17+$0x3470]  }
0x5a: {  	v14 =	vld [tilespmem:s17+$0x3400]  }
0x5b: {  	v15 =	vld [tilespmem:s17+$0x3410]  }
0x5c: {  	v16 =	vld [tilespmem:s17+$0x3420]  }
0x5d: {  	v17 =	vld [tilespmem:s17+$0x3430]  }
0x5e: {  	v18 =	vld [tilespmem:s17+$0x3440]  }
0x5f: {  	v19 =	vld [tilespmem:s17+$0x3450]  }
0x60: {  	v20 =	vld [tilespmem:s17+$0x3460];
	_ =	swait.ge [sflag:s11], $0x3400  }
0x61: {  	[sflag:s11] =	ssyncset.done $0x0  }
0x62: {  	s19 =	simm.s32 $0x0;
	[sflag:s11] =	ssyncadd.s32 $0xFFFFCC00  }
0x63: {  	v0 =	vadd.f32 v8, v0;
	v1 =	vadd.f32 v9, v1;
	v9 =	vld [tilespmem:s19+$0x70]  }
0x64: {  	v2 =	vadd.f32 v10, v2;
	v8 =	vadd.f32 v11, v3;
	v10 =	vld [tilespmem:s19+$0x0]  }
0x65: {  	v11 =	vadd.f32 v12, v4;
	v12 =	vadd.f32 v13, v5;
	v13 =	vld [tilespmem:s19+$0x10]  }
0x66: {  	v14 =	vadd.f32 v14, v6;
	v15 =	vadd.f32 v15, v7;
	v6 =	vld [tilespmem:s19+$0x20]  }
0x67: {  	v3 =	vadd.f32 v16, v0;
	v4 =	vadd.f32 v17, v1;
	v7 =	vld [tilespmem:s19+$0x30]  }
0x68: {  	v5 =	vadd.f32 v18, v2;
	v2 =	vadd.f32 v19, v8;
	v8 =	vld [tilespmem:s19+$0x40]  }
0x69: {  	v1 =	vadd.f32 v20, v11;
	v0 =	vadd.f32 v9, v12;
	v9 =	vld [tilespmem:s19+$0x50]  }
0x6a: {  	s17 =	simm.s32 $0x80;
	s18 =	simm.s32 $0x400;
	v10 =	vadd.f32 v10, v14;
	v12 =	vld [tilespmem:s19+$0x60];
	v11 =	vadd.f32 v13, v15  }
.LBB2_6:
0x6b: {  	p2 =	sne.s32 s18, $0xCE00;
	v13 =	vld [tilespmem:s17+$0x70];
	v3 =	vadd.f32 v6, v3  }
0x6c: {  	v14 =	vld [tilespmem:s17+$0x0];
	v4 =	vadd.f32 v7, v4  }
0x6d: {  	v15 =	vld [tilespmem:s17+$0x10];
	v5 =	vadd.f32 v8, v5  }
.Ltmp4:
0x6e: {  	v6 =	vld [tilespmem:s17+$0x20];
	v2 =	vadd.f32 v9, v2;
	(pc) =	sbr.rel @p2 .LBB2_6-.Ltmp4, $4  }
0x6f: {  	v7 =	vld [tilespmem:s17+$0x30];
	v1 =	vadd.f32 v12, v1  }
0x70: {  	v8 =	vld [tilespmem:s17+$0x40];
	v0 =	vadd.f32 v13, v0  }
0x71: {  	v10 =	vadd.f32 v14, v10;
	v9 =	vld [tilespmem:s17+$0x50]  }
0x72: {  	v11 =	vadd.f32 v15, v11;
	v12 =	vld [tilespmem:s17+$0x60];
	s17 =	sshra.s32 s18, $0x2;
	s18 =	sadd.s32 $0x200, s18  }
0x73: {  	v14 =	vld [tilespmem:s17+$0x0]  }
0x74: {  	v15 =	vld [tilespmem:s17+$0x10]  }
0x75: {  	v16 =	vld [tilespmem:s17+$0x20]  }
0x76: {  	v17 =	vld [tilespmem:s17+$0x30]  }
0x77: {  	v18 =	vld [tilespmem:s17+$0x40]  }
0x78: {  	v6 =	vadd.f32 v6, v3;
	v62 =	vld [tilespmem:s17+$0x50];
	v3 =	vadd.f32 v14, v10  }
0x79: {  	v13 =	vld [tilespmem:s17+$0x70];
	v7 =	vadd.f32 v7, v4;
	v4 =	vadd.f32 v15, v11  }
0x7a: {  	v63 =	vld [tilespmem:s17+$0x60];
	v8 =	vadd.f32 v8, v5;
	v5 =	vadd.f32 v16, v6;
	[tilespmem:$0x7000] =	vst v3  }
0x7b: {  	v2 =	vadd.f32 v9, v2;
	v6 =	vadd.f32 v17, v7;
	[tilespmem:$0x7010] =	vst v4  }
0x7c: {  	v7 =	vadd.f32 v18, v8;
	[tilespmem:$0x7020] =	vst v5  }
.Ltmp5:
0x7d: {  	v1 =	vadd.f32 v12, v1;
	v2 =	vadd.f32 v62, v2;
	[tilespmem:$0x7030] =	vst v6;
	(pc) =	sbr.rel @p1 .LBB2_11-.Ltmp5, $4  }
0x7e: {  	v0 =	vadd.f32 v13, v0;
	[tilespmem:$0x7040] =	vst v7  }
0x7f: {  	v1 =	vadd.f32 v63, v1;
	[tilespmem:$0x7050] =	vst v2  }
0x80: {  	[tilespmem:$0x7070] =	vst v0  }
0x81: {  	[tilespmem:$0x7060] =	vst v1  }
0x82: {  	_ =	swait.ge [sflag:s13], $0x800  }
0x83: {  	[sflag:s13] =	ssyncset.done $0x0  }
0x84: {  	s17 =	simm.s32 $0x0;
	s18 =	simm.s32 $0x200;
	[sflag:s13] =	ssyncadd.s32 $0xFFFFF800  }
.LBB2_9:
0x85: {  	p2 =	sne.s32 s18, $0x1E00;
	v8 =	vld [tilespmem:s17+$0x6800];
	_ =	sdelay $0x4  }
0x86: {  	v3 =	vadd.f32 v8, v3;
	_ =	sdelay $0x1  }
0x87: {  	[tilespmem:$0x7000] =	vst v3  }
0x88: {  	v8 =	vld [tilespmem:s17+$0x6810];
	_ =	sdelay $0x4  }
0x89: {  	v4 =	vadd.f32 v8, v4;
	_ =	sdelay $0x1  }
0x8a: {  	[tilespmem:$0x7010] =	vst v4  }
0x8b: {  	v8 =	vld [tilespmem:s17+$0x6820];
	_ =	sdelay $0x4  }
0x8c: {  	v5 =	vadd.f32 v8, v5;
	_ =	sdelay $0x1  }
0x8d: {  	[tilespmem:$0x7020] =	vst v5  }
0x8e: {  	v8 =	vld [tilespmem:s17+$0x6830];
	_ =	sdelay $0x4  }
0x8f: {  	v6 =	vadd.f32 v8, v6;
	_ =	sdelay $0x1  }
0x90: {  	[tilespmem:$0x7030] =	vst v6  }
0x91: {  	v8 =	vld [tilespmem:s17+$0x6840];
	_ =	sdelay $0x4  }
0x92: {  	v7 =	vadd.f32 v8, v7;
	_ =	sdelay $0x1  }
0x93: {  	[tilespmem:$0x7040] =	vst v7  }
0x94: {  	v8 =	vld [tilespmem:s17+$0x6850];
	_ =	sdelay $0x4  }
0x95: {  	v2 =	vadd.f32 v8, v2;
	_ =	sdelay $0x1  }
0x96: {  	[tilespmem:$0x7050] =	vst v2  }
0x97: {  	v8 =	vld [tilespmem:s17+$0x6860];
	_ =	sdelay $0x4  }
0x98: {  	v1 =	vadd.f32 v8, v1;
	_ =	sdelay $0x1  }
0x99: {  	[tilespmem:$0x7060] =	vst v1  }
0x9a: {  	v8 =	vld [tilespmem:s17+$0x6870];
	_ =	sdelay $0x2  }
.Ltmp6:
0x9b: {  	(pc) =	sbr.rel @p2 .LBB2_9-.Ltmp6, $3  }
0x9c: {  	_ = 	snop  }
0x9d: {  	v0 =	vadd.f32 v8, v0;
	_ =	sdelay $0x1  }
0x9e: {  	s17 =	sshra.s32 s18, $0x2;
	s18 =	sadd.s32 $0x200, s18;
	[tilespmem:$0x7070] =	vst v0  }
0x9f: {  	v8 =	vld [tilespmem:s17+$0x6800];
	_ =	sdelay $0x4  }
0xa0: {  	v3 =	vadd.f32 v8, v3;
	_ =	sdelay $0x1  }
0xa1: {  	[tilespmem:$0x7000] =	vst v3  }
0xa2: {  	v3 =	vld [tilespmem:s17+$0x6810];
	_ =	sdelay $0x4  }
0xa3: {  	v3 =	vadd.f32 v3, v4;
	_ =	sdelay $0x1  }
0xa4: {  	[tilespmem:$0x7010] =	vst v3  }
0xa5: {  	v3 =	vld [tilespmem:s17+$0x6820];
	_ =	sdelay $0x4  }
0xa6: {  	v3 =	vadd.f32 v3, v5;
	_ =	sdelay $0x1  }
0xa7: {  	[tilespmem:$0x7020] =	vst v3  }
0xa8: {  	v3 =	vld [tilespmem:s17+$0x6830];
	_ =	sdelay $0x4  }
0xa9: {  	v3 =	vadd.f32 v3, v6;
	_ =	sdelay $0x1  }
0xaa: {  	[tilespmem:$0x7030] =	vst v3  }
0xab: {  	v3 =	vld [tilespmem:s17+$0x6840];
	_ =	sdelay $0x4  }
0xac: {  	v3 =	vadd.f32 v3, v7;
	_ =	sdelay $0x1  }
0xad: {  	[tilespmem:$0x7040] =	vst v3  }
0xae: {  	v3 =	vld [tilespmem:s17+$0x6850];
	_ =	sdelay $0x4  }
0xaf: {  	v2 =	vadd.f32 v3, v2;
	_ =	sdelay $0x1  }
0xb0: {  	[tilespmem:$0x7050] =	vst v2  }
0xb1: {  	v2 =	vld [tilespmem:s17+$0x6860];
	_ =	sdelay $0x4  }
0xb2: {  	v1 =	vadd.f32 v2, v1;
	_ =	sdelay $0x1  }
0xb3: {  	[tilespmem:$0x7060] =	vst v1  }
0xb4: {  	v1 =	vld [tilespmem:s17+$0x6870];
	_ =	sdelay $0x4  }
0xb5: {  	v0 =	vadd.f32 v1, v0;
	_ =	sdelay $0x1  }
0xb6: {  	[tilespmem:$0x7070] =	vst v0  }
.LBB2_11:
0xb7: {  	[spmem:s7] =	stream.linear.scatter [tilespmem:s14], [sflag:$0x4], $0x80, $0x38;
	[tilespmem:$0x7100] =	vst v63  }
.Ltmp7:
0xb8: {  	_ =	swait.ge [sflag:s15], $0x80;
	(pc) =	sbr.rel @p0 .LBB2_15-.Ltmp7, $3  }
0xb9: {  	[sflag:s15] =	ssyncset.done $0x0  }
0xba: {  	[sflag:s15] =	ssyncadd.s32 $0xFFFFFF80  }
0xbb: {  	[bflag:$0x0] =	sbarrier.arrive $0xFFFF;
	_ =	sdelay $0x1  }
0xbc: {  	s17 =	simm.s32 $0x0  }
0xbd: {  	[tilespmem:s17], [sflag:$0x4] =	stream.linear.gather [spmem:s1], $0x800, $0x38;
	[tilespmem:$0x7100] =	vst v63  }
0xbe: {  	_ =	swait.ge [sflag:s15], $0x800  }
0xbf: {  	[sflag:s15] =	ssyncset.done $0x0  }
0xc0: {  	s19 =	simm.s32 $0x0;
	[sflag:s15] =	ssyncadd.s32 $0xFFFFF800  }
0xc1: {  	v0 =	vld [tilespmem:s19+$0x70]  }
0xc2: {  	v2 =	vld [tilespmem:s19+$0x0]  }
0xc3: {  	v3 =	vld [tilespmem:s19+$0x10]  }
0xc4: {  	v11 =	vld [tilespmem:s19+$0x20]  }
0xc5: {  	v10 =	vld [tilespmem:s19+$0x30]  }
0xc6: {  	v1 =	vimm.f32 $0.0e+00;
	v6 =	vimm.f32 $0.0e+00;
	v7 =	vld [tilespmem:s19+$0x40]  }
0xc7: {  	v8 =	vimm.f32 $0.0e+00;
	v4 =	vimm.f32 $0.0e+00;
	v9 =	vld [tilespmem:s19+$0x50];
	v0 =	vadd.f32 v0, v1  }
0xc8: {  	s18 =	simm.s32 $0x400;
	s17 =	simm.s32 $0x80;
	v12 =	vld [tilespmem:s19+$0x60];
	v5 =	vadd.f32 v2, v1;
	v3 =	vadd.f32 v3, v1;
	v2 =	vimm.f32 $0.0e+00  }
.LBB2_13:
0xc9: {  	p2 =	sne.s32 s18, $0x1E00;
	v13 =	vld [tilespmem:s17+$0x70];
	v1 =	vadd.f32 v11, v1  }
0xca: {  	v6 =	vadd.f32 v10, v6;
	v14 =	vld [tilespmem:s17+$0x0]  }
0xcb: {  	v8 =	vadd.f32 v7, v8;
	v15 =	vld [tilespmem:s17+$0x10]  }
.Ltmp8:
0xcc: {  	v4 =	vadd.f32 v9, v4;
	v11 =	vld [tilespmem:s17+$0x20];
	(pc) =	sbr.rel @p2 .LBB2_13-.Ltmp8, $4  }
0xcd: {  	v2 =	vadd.f32 v12, v2;
	v10 =	vld [tilespmem:s17+$0x30]  }
0xce: {  	v7 =	vld [tilespmem:s17+$0x40];
	v0 =	vadd.f32 v13, v0  }
0xcf: {  	v5 =	vadd.f32 v14, v5;
	v9 =	vld [tilespmem:s17+$0x50]  }
0xd0: {  	v3 =	vadd.f32 v15, v3;
	v12 =	vld [tilespmem:s17+$0x60];
	s17 =	sshra.s32 s18, $0x2;
	s18 =	sadd.s32 $0x200, s18  }
.Ltmp9:
0xd1: {  	_ = 	snop;
	(pc) =	sbr.rel .LBB2_14-.Ltmp9, $1  }
0xd2: {  	_ =	sdelay $0x3  }
.LBB2_16:
0xd3: {  	_ =	sfence.sel $0x180000  }
0xd4: {  	[bflag:$0x0] =	sbarrier.arrive $0xFFFF  }
0xd5: {  	_ =	strace $0x90000047  }
0xd6: {  	s0 =	sadd.s32 @!p0 $0x100000, s0;
	[bflag:$0x2] =	sbarrier.arrive $0xFFFF  }
0xd7: {  	[sflag:s0] =	ssyncadd.tile.s32 @!p0 $0x1;
	_ =	shalt  }
.Lfunc_end2:
_tile_overlayer_lowered:
.L_overlay_start_2:
0xd8: {  	(tag) =	ssettag $0x2  }
0xd9: {  	s0 =	rddreg [dreg:$0x0];
	s2 =	stileid.u32  }
0xda: {  	s1 =	rddreg [dreg:$0x1];
	p0 =	sne.s32 s2, $0x0  }
0xdb: {  	s3 =	rddreg [dreg:$0x2];
	[bflag:$0x3] =	sbarrier.arrive $0xFFFF;
	s2 =	simm.s32 @!p0 $0x1C04  }
0xdc: {  	[timem:s3], [sflag:s2] =	dma.local @!p0 [hbm:s0], s1  }
0xdd: {  	s0 =	simm.s32 @!p0 $0x4  }
0xde: {  	_ =	swait.ge @!p0 [sflag:s0], s1  }
0xdf: {  	s1 =	ssub.s32 @!p0 $0x0, s1;
	[sflag:s0] =	ssyncset.done @!p0 $0x0  }
0xe0: {  	[sflag:s0] =	ssyncadd.s32 @!p0 s1  }
0xe1: {  	[bflag:$0x3] =	sbarrier.arrive $0xFFFF  }
0xe2: {  	_ =	shalt  }

</sc_bundles>
